<compile_context>
chip_gen: v7x
topology: tpu7x:2x2x1
jax: 0.10.2.dev20260603
libtpu: 0.0.44.dev20260713+nightly
codegen_flags: <defaults>
</compile_context>

<pallas_src>
import functools

import jax
import jax.numpy as jnp
from jax import lax
from jax.experimental import pallas as pl
from jax.experimental.pallas import tpu as pltpu
from jax.experimental.pallas import tpu_sc as plsc

_NC = 2
_NS = 16
_NW = _NC * _NS
_BLK = 64


def _make_pool(B, L, V, D):
    bpw = B // _NW
    nblk = bpw // _BLK

    mesh = plsc.VectorSubcoreMesh(core_axis_name="c", subcore_axis_name="s")

    @functools.partial(
        pl.kernel,
        mesh=mesh,
        out_type=jax.ShapeDtypeStruct((B, D), jnp.float32),
        scratch_types=[
            pltpu.VMEM((L, bpw), jnp.int32),
            pltpu.VMEM((bpw, D), jnp.float32),
        ] + [pltpu.SemaphoreType.DMA] * (bpw // _BLK),
    )
    def pool(ids_hbm, table_hbm, out_hbm, idx_v, acc_v, *sems):
        cid = lax.axis_index("c")
        sid = lax.axis_index("s")
        wid = sid * _NC + cid
        accs = tuple(acc_v.at[pl.ds(k * _BLK, _BLK)] for k in range(nblk))

        def idx(t, k):
            return idx_v.at[t, pl.ds(k * _BLK, _BLK)]

        pltpu.sync_copy(ids_hbm.at[wid], idx_v)

        for k in range(nblk):
            pltpu.make_async_copy(
                table_hbm.at[idx(0, k)], accs[k], sems[k]).start()

        def step(t, carry):
            for k in range(nblk):
                pltpu.make_async_copy(
                    table_hbm.at[idx(t - 1, k)], accs[k], sems[k]).wait()
                pltpu.async_copy(
                    table_hbm.at[idx(t, k)], accs[k], sems[k], add=True)
            return carry

        lax.fori_loop(1, L, step, 0)

        for k in range(nblk):
            pltpu.make_async_copy(
                table_hbm.at[idx(L - 1, k)], accs[k], sems[k]).wait()
        pltpu.sync_copy(acc_v, out_hbm.at[pl.ds(wid * bpw, bpw)])

    return pool


def _make_mm_body(inv_l):
    def _mm_body(x_ref, w_ref, b_ref, o_ref):
        o_ref[...] = jnp.dot(
            x_ref[...] * inv_l, w_ref[...],
            preferred_element_type=jnp.float32) + b_ref[...]
    return _mm_body


@jax.jit
def kernel(input_ids, emb_table, fc_w, fc_b):
    B, L = input_ids.shape
    V, D = emb_table.shape
    O = fc_w.shape[1]
    bpw = B // _NW

    ids = (input_ids.astype(jnp.int32)
           .reshape(_NW, bpw, L)
           .transpose(0, 2, 1))

    pool = _make_pool(B, L, V, D)
    pooled = pool(ids, emb_table)

    bm = 2048
    out = pl.pallas_call(
        _make_mm_body(1.0 / L),
        grid=(B // bm,),
        in_specs=[
            pl.BlockSpec((bm, D), lambda i: (i, 0)),
            pl.BlockSpec((D, O), lambda i: (0, 0)),
            pl.BlockSpec((1, O), lambda i: (0, 0)),
        ],
        out_specs=pl.BlockSpec((bm, O), lambda i: (i, 0)),
        out_shape=jax.ShapeDtypeStruct((B, O), jnp.float32),
    )(pooled, fc_w, fc_b.reshape(1, O))
    return out

# --- scband reference (transcript-rebuilt; emitter-appended) ---
"""Pipeline reference for scband-text-encoder-86706799771910 (READ-ONLY COPY).

The authoritative reference and input builder live on the scoring server;
editing this copy changes nothing except your own understanding.
"""

import jax, jax.numpy as jnp
import numpy as np

VOCAB = 50000
EMBED_DIM = 128
OUTPUT_DIM = 512
BATCH = 16384
SEQ = 50

def setup_inputs(seed: int = 0) -> dict:
    key = jax.random.key(seed)
    k1, k2, k3 = jax.random.split(key, 3)
    input_ids = jax.random.randint(k1, (BATCH, SEQ), 0, VOCAB, dtype=jnp.int64 if jax.config.jax_enable_x64 else jnp.int32)
    emb_table = jax.random.normal(k2, (VOCAB, EMBED_DIM), dtype=jnp.float32) * 0.02
    fc_w = jax.random.normal(k3, (EMBED_DIM, OUTPUT_DIM), dtype=jnp.float32) * 0.02
    fc_b = jnp.zeros((OUTPUT_DIM,), dtype=jnp.float32)
    return {"input_ids": input_ids, "emb_table": emb_table, "fc_w": fc_w, "fc_b": fc_b}

def reference(input_ids, emb_table, fc_w, fc_b):
    # embedding lookup: [B, L, 128]
    x = jnp.take(emb_table, input_ids, axis=0)
    # mean pool over sequence dim
    x = jnp.mean(x, axis=1)
    # linear projection to output_dim
    return x @ fc_w + fc_b

if __name__ == "__main__":
    import jax
    _d = setup_inputs()
    print(jax.jit(kernel)(*tuple(_d.values())))

</pallas_src>

<mosaic_0001>
#map = affine_map<(d0, d1) -> (0, 0, 0)>
#map1 = affine_map<(d0, d1) -> (0, 0)>
module attributes {stable_mosaic.version = 14 : i64} {
  func.func @pool(%arg0: i32, %arg1: i32, %arg2: memref<32x50x512xi32, #tpu.memory_space<hbm>>, %arg3: memref<50000x128xf32, #tpu.memory_space<hbm>>, %arg4: memref<16384x128xf32, #tpu.memory_space<hbm>>, %arg5: memref<50x512xi32, #tpu.memory_space<vmem>>, %arg6: memref<512x128xf32, #tpu.memory_space<vmem>>, %arg7: memref<!tpu.dma_semaphore, #tpu.memory_space<semaphore_mem>>, %arg8: memref<!tpu.dma_semaphore, #tpu.memory_space<semaphore_mem>>, %arg9: memref<!tpu.dma_semaphore, #tpu.memory_space<semaphore_mem>>, %arg10: memref<!tpu.dma_semaphore, #tpu.memory_space<semaphore_mem>>, %arg11: memref<!tpu.dma_semaphore, #tpu.memory_space<semaphore_mem>>, %arg12: memref<!tpu.dma_semaphore, #tpu.memory_space<semaphore_mem>>, %arg13: memref<!tpu.dma_semaphore, #tpu.memory_space<semaphore_mem>>, %arg14: memref<!tpu.dma_semaphore, #tpu.memory_space<semaphore_mem>>) attributes {dimension_semantics = [#tpu.dimension_semantics<core_parallel>, #tpu.dimension_semantics<subcore_parallel>], iteration_bounds = array<i64: 2, 16>, scalar_prefetch = 0 : i64, scratch_operands = 10 : i64, tpu.core_type = #tpu.core_type<sc_vector_subcore>, window_params = [{transform_indices = #map}, {transform_indices = #map1}, {transform_indices = #map1}]} {
    %mul3A = arith.constant 2 : i32
    %mul3A_0 = arith.muli %arg1, %mul3A : i32
    %add3A = arith.addi %mul3A_0, %arg0 : i32
    "tpu.region"() ({
      %run_scoped3A = tpu.sem_alloc : memref<!tpu.dma_semaphore, #tpu.memory_space<semaphore_mem>>
      %dma_start3A_166 = arith.constant 0 : i32
      %dma_start3A_167 = arith.constant 0 : i32
      %dma_start3A_168 = tpu.memref_slice %arg2[%add3A, %dma_start3A_166, %dma_start3A_167] : memref<32x50x512xi32, #tpu.memory_space<hbm>> -> memref<1x50x512xi32, #tpu.memory_space<hbm>>
      %dma_start3A_169 = tpu.memref_squeeze %dma_start3A_168 : memref<1x50x512xi32, #tpu.memory_space<hbm>> -> memref<50x512xi32, #tpu.memory_space<hbm>>
      %dma_start3A_170 = arith.constant 0 : i32
      %dma_start3A_171 = arith.constant 0 : i32
      %dma_start3A_172 = tpu.memref_slice %arg2[%add3A, %dma_start3A_170, %dma_start3A_171] : memref<32x50x512xi32, #tpu.memory_space<hbm>> -> memref<1x50x512xi32, #tpu.memory_space<hbm>>
      %dma_start3A_173 = tpu.memref_squeeze %dma_start3A_172 : memref<1x50x512xi32, #tpu.memory_space<hbm>> -> memref<50x512xi32, #tpu.memory_space<hbm>>
      tpu.enqueue_dma source(%dma_start3A_173 : memref<50x512xi32, #tpu.memory_space<hbm>>) target(%arg5 : memref<50x512xi32, #tpu.memory_space<vmem>>) target_semaphore(%run_scoped3A : memref<!tpu.dma_semaphore, #tpu.memory_space<semaphore_mem>>)
      %dma_wait3A_174 = arith.constant 0 : i32
      %dma_wait3A_175 = arith.constant 0 : i32
      %dma_wait3A_176 = tpu.memref_slice %arg2[%add3A, %dma_wait3A_174, %dma_wait3A_175] : memref<32x50x512xi32, #tpu.memory_space<hbm>> -> memref<1x50x512xi32, #tpu.memory_space<hbm>>
      %dma_wait3A_177 = tpu.memref_squeeze %dma_wait3A_176 : memref<1x50x512xi32, #tpu.memory_space<hbm>> -> memref<50x512xi32, #tpu.memory_space<hbm>>
      %dma_wait3A_178 = arith.constant 0 : i32
      %dma_wait3A_179 = arith.constant 0 : i32
      %dma_wait3A_180 = tpu.memref_slice %arg2[%add3A, %dma_wait3A_178, %dma_wait3A_179] : memref<32x50x512xi32, #tpu.memory_space<hbm>> -> memref<1x50x512xi32, #tpu.memory_space<hbm>>
      %dma_wait3A_181 = tpu.memref_squeeze %dma_wait3A_180 : memref<1x50x512xi32, #tpu.memory_space<hbm>> -> memref<50x512xi32, #tpu.memory_space<hbm>>
      tpu.wait_dma2 semaphore(%run_scoped3A : memref<!tpu.dma_semaphore, #tpu.memory_space<semaphore_mem>>) src(%dma_wait3A_181 : memref<50x512xi32, #tpu.memory_space<hbm>>) dst(%arg5 : memref<50x512xi32, #tpu.memory_space<vmem>>)
      tpu.yield
    }) : () -> ()
    %dma_start3A = arith.constant 0 : i32
    %dma_start3A_1 = arith.constant 0 : i32
    %dma_start3A_2 = arith.constant 0 : i32
    %dma_start3A_3 = tpu.memref_slice %arg6[%dma_start3A_1, %dma_start3A_2] : memref<512x128xf32, #tpu.memory_space<vmem>> -> memref<64x128xf32, #tpu.memory_space<vmem>>
    %dma_start3A_4 = arith.constant 0 : i32
    %dma_start3A_5 = tpu.memref_slice %arg5[%dma_start3A, %dma_start3A_4] : memref<50x512xi32, #tpu.memory_space<vmem>> -> memref<1x64xi32, #tpu.memory_space<vmem>>
    %dma_start3A_6 = tpu.memref_squeeze %dma_start3A_5 : memref<1x64xi32, #tpu.memory_space<vmem>> -> memref<64xi32, #tpu.memory_space<vmem>>
    %dma_start3A_7 = arith.constant 0 : i32
    %dma_start3A_8 = arith.constant 0 : i32
    %dma_start3A_9 = tpu.memref_slice %arg3[%dma_start3A_7, %dma_start3A_8] : memref<50000x128xf32, #tpu.memory_space<hbm>> -> memref<50000x128xf32, #tpu.memory_space<hbm>>
    tpu.enqueue_indirect_dma source(%dma_start3A_9 : memref<50000x128xf32, #tpu.memory_space<hbm>>) target(%dma_start3A_3 : memref<64x128xf32, #tpu.memory_space<vmem>>) offsets(%dma_start3A_6 : memref<64xi32, #tpu.memory_space<vmem>>) semaphore(%arg7 : memref<!tpu.dma_semaphore, #tpu.memory_space<semaphore_mem>>)
    %dma_start3A_10 = arith.constant 0 : i32
    %dma_start3A_11 = arith.constant 64 : i32
    %dma_start3A_12 = arith.constant 0 : i32
    %dma_start3A_13 = tpu.memref_slice %arg6[%dma_start3A_11, %dma_start3A_12] : memref<512x128xf32, #tpu.memory_space<vmem>> -> memref<64x128xf32, #tpu.memory_space<vmem>>
    %dma_start3A_14 = arith.constant 64 : i32
    %dma_start3A_15 = tpu.memref_slice %arg5[%dma_start3A_10, %dma_start3A_14] : memref<50x512xi32, #tpu.memory_space<vmem>> -> memref<1x64xi32, #tpu.memory_space<vmem>>
    %dma_start3A_16 = tpu.memref_squeeze %dma_start3A_15 : memref<1x64xi32, #tpu.memory_space<vmem>> -> memref<64xi32, #tpu.memory_space<vmem>>
    %dma_start3A_17 = arith.constant 0 : i32
    %dma_start3A_18 = arith.constant 0 : i32
    %dma_start3A_19 = tpu.memref_slice %arg3[%dma_start3A_17, %dma_start3A_18] : memref<50000x128xf32, #tpu.memory_space<hbm>> -> memref<50000x128xf32, #tpu.memory_space<hbm>>
    tpu.enqueue_indirect_dma source(%dma_start3A_19 : memref<50000x128xf32, #tpu.memory_space<hbm>>) target(%dma_start3A_13 : memref<64x128xf32, #tpu.memory_space<vmem>>) offsets(%dma_start3A_16 : memref<64xi32, #tpu.memory_space<vmem>>) semaphore(%arg8 : memref<!tpu.dma_semaphore, #tpu.memory_space<semaphore_mem>>)
    %dma_start3A_20 = arith.constant 0 : i32
    %dma_start3A_21 = arith.constant 128 : i32
    %dma_start3A_22 = arith.constant 0 : i32
    %dma_start3A_23 = tpu.memref_slice %arg6[%dma_start3A_21, %dma_start3A_22] : memref<512x128xf32, #tpu.memory_space<vmem>> -> memref<64x128xf32, #tpu.memory_space<vmem>>
    %dma_start3A_24 = arith.constant 128 : i32
    %dma_start3A_25 = tpu.memref_slice %arg5[%dma_start3A_20, %dma_start3A_24] : memref<50x512xi32, #tpu.memory_space<vmem>> -> memref<1x64xi32, #tpu.memory_space<vmem>>
    %dma_start3A_26 = tpu.memref_squeeze %dma_start3A_25 : memref<1x64xi32, #tpu.memory_space<vmem>> -> memref<64xi32, #tpu.memory_space<vmem>>
    %dma_start3A_27 = arith.constant 0 : i32
    %dma_start3A_28 = arith.constant 0 : i32
    %dma_start3A_29 = tpu.memref_slice %arg3[%dma_start3A_27, %dma_start3A_28] : memref<50000x128xf32, #tpu.memory_space<hbm>> -> memref<50000x128xf32, #tpu.memory_space<hbm>>
    tpu.enqueue_indirect_dma source(%dma_start3A_29 : memref<50000x128xf32, #tpu.memory_space<hbm>>) target(%dma_start3A_23 : memref<64x128xf32, #tpu.memory_space<vmem>>) offsets(%dma_start3A_26 : memref<64xi32, #tpu.memory_space<vmem>>) semaphore(%arg9 : memref<!tpu.dma_semaphore, #tpu.memory_space<semaphore_mem>>)
    %dma_start3A_30 = arith.constant 0 : i32
    %dma_start3A_31 = arith.constant 192 : i32
    %dma_start3A_32 = arith.constant 0 : i32
    %dma_start3A_33 = tpu.memref_slice %arg6[%dma_start3A_31, %dma_start3A_32] : memref<512x128xf32, #tpu.memory_space<vmem>> -> memref<64x128xf32, #tpu.memory_space<vmem>>
    %dma_start3A_34 = arith.constant 192 : i32
    %dma_start3A_35 = tpu.memref_slice %arg5[%dma_start3A_30, %dma_start3A_34] : memref<50x512xi32, #tpu.memory_space<vmem>> -> memref<1x64xi32, #tpu.memory_space<vmem>>
    %dma_start3A_36 = tpu.memref_squeeze %dma_start3A_35 : memref<1x64xi32, #tpu.memory_space<vmem>> -> memref<64xi32, #tpu.memory_space<vmem>>
    %dma_start3A_37 = arith.constant 0 : i32
    %dma_start3A_38 = arith.constant 0 : i32
    %dma_start3A_39 = tpu.memref_slice %arg3[%dma_start3A_37, %dma_start3A_38] : memref<50000x128xf32, #tpu.memory_space<hbm>> -> memref<50000x128xf32, #tpu.memory_space<hbm>>
    tpu.enqueue_indirect_dma source(%dma_start3A_39 : memref<50000x128xf32, #tpu.memory_space<hbm>>) target(%dma_start3A_33 : memref<64x128xf32, #tpu.memory_space<vmem>>) offsets(%dma_start3A_36 : memref<64xi32, #tpu.memory_space<vmem>>) semaphore(%arg10 : memref<!tpu.dma_semaphore, #tpu.memory_space<semaphore_mem>>)
    %dma_start3A_40 = arith.constant 0 : i32
    %dma_start3A_41 = arith.constant 256 : i32
    %dma_start3A_42 = arith.constant 0 : i32
    %dma_start3A_43 = tpu.memref_slice %arg6[%dma_start3A_41, %dma_start3A_42] : memref<512x128xf32, #tpu.memory_space<vmem>> -> memref<64x128xf32, #tpu.memory_space<vmem>>
    %dma_start3A_44 = arith.constant 256 : i32
    %dma_start3A_45 = tpu.memref_slice %arg5[%dma_start3A_40, %dma_start3A_44] : memref<50x512xi32, #tpu.memory_space<vmem>> -> memref<1x64xi32, #tpu.memory_space<vmem>>
    %dma_start3A_46 = tpu.memref_squeeze %dma_start3A_45 : memref<1x64xi32, #tpu.memory_space<vmem>> -> memref<64xi32, #tpu.memory_space<vmem>>
    %dma_start3A_47 = arith.constant 0 : i32
    %dma_start3A_48 = arith.constant 0 : i32
    %dma_start3A_49 = tpu.memref_slice %arg3[%dma_start3A_47, %dma_start3A_48] : memref<50000x128xf32, #tpu.memory_space<hbm>> -> memref<50000x128xf32, #tpu.memory_space<hbm>>
    tpu.enqueue_indirect_dma source(%dma_start3A_49 : memref<50000x128xf32, #tpu.memory_space<hbm>>) target(%dma_start3A_43 : memref<64x128xf32, #tpu.memory_space<vmem>>) offsets(%dma_start3A_46 : memref<64xi32, #tpu.memory_space<vmem>>) semaphore(%arg11 : memref<!tpu.dma_semaphore, #tpu.memory_space<semaphore_mem>>)
    %dma_start3A_50 = arith.constant 0 : i32
    %dma_start3A_51 = arith.constant 320 : i32
    %dma_start3A_52 = arith.constant 0 : i32
    %dma_start3A_53 = tpu.memref_slice %arg6[%dma_start3A_51, %dma_start3A_52] : memref<512x128xf32, #tpu.memory_space<vmem>> -> memref<64x128xf32, #tpu.memory_space<vmem>>
    %dma_start3A_54 = arith.constant 320 : i32
    %dma_start3A_55 = tpu.memref_slice %arg5[%dma_start3A_50, %dma_start3A_54] : memref<50x512xi32, #tpu.memory_space<vmem>> -> memref<1x64xi32, #tpu.memory_space<vmem>>
    %dma_start3A_56 = tpu.memref_squeeze %dma_start3A_55 : memref<1x64xi32, #tpu.memory_space<vmem>> -> memref<64xi32, #tpu.memory_space<vmem>>
    %dma_start3A_57 = arith.constant 0 : i32
    %dma_start3A_58 = arith.constant 0 : i32
    %dma_start3A_59 = tpu.memref_slice %arg3[%dma_start3A_57, %dma_start3A_58] : memref<50000x128xf32, #tpu.memory_space<hbm>> -> memref<50000x128xf32, #tpu.memory_space<hbm>>
    tpu.enqueue_indirect_dma source(%dma_start3A_59 : memref<50000x128xf32, #tpu.memory_space<hbm>>) target(%dma_start3A_53 : memref<64x128xf32, #tpu.memory_space<vmem>>) offsets(%dma_start3A_56 : memref<64xi32, #tpu.memory_space<vmem>>) semaphore(%arg12 : memref<!tpu.dma_semaphore, #tpu.memory_space<semaphore_mem>>)
    %dma_start3A_60 = arith.constant 0 : i32
    %dma_start3A_61 = arith.constant 384 : i32
    %dma_start3A_62 = arith.constant 0 : i32
    %dma_start3A_63 = tpu.memref_slice %arg6[%dma_start3A_61, %dma_start3A_62] : memref<512x128xf32, #tpu.memory_space<vmem>> -> memref<64x128xf32, #tpu.memory_space<vmem>>
    %dma_start3A_64 = arith.constant 384 : i32
    %dma_start3A_65 = tpu.memref_slice %arg5[%dma_start3A_60, %dma_start3A_64] : memref<50x512xi32, #tpu.memory_space<vmem>> -> memref<1x64xi32, #tpu.memory_space<vmem>>
    %dma_start3A_66 = tpu.memref_squeeze %dma_start3A_65 : memref<1x64xi32, #tpu.memory_space<vmem>> -> memref<64xi32, #tpu.memory_space<vmem>>
    %dma_start3A_67 = arith.constant 0 : i32
    %dma_start3A_68 = arith.constant 0 : i32
    %dma_start3A_69 = tpu.memref_slice %arg3[%dma_start3A_67, %dma_start3A_68] : memref<50000x128xf32, #tpu.memory_space<hbm>> -> memref<50000x128xf32, #tpu.memory_space<hbm>>
    tpu.enqueue_indirect_dma source(%dma_start3A_69 : memref<50000x128xf32, #tpu.memory_space<hbm>>) target(%dma_start3A_63 : memref<64x128xf32, #tpu.memory_space<vmem>>) offsets(%dma_start3A_66 : memref<64xi32, #tpu.memory_space<vmem>>) semaphore(%arg13 : memref<!tpu.dma_semaphore, #tpu.memory_space<semaphore_mem>>)
    %dma_start3A_70 = arith.constant 0 : i32
    %dma_start3A_71 = arith.constant 448 : i32
    %dma_start3A_72 = arith.constant 0 : i32
    %dma_start3A_73 = tpu.memref_slice %arg6[%dma_start3A_71, %dma_start3A_72] : memref<512x128xf32, #tpu.memory_space<vmem>> -> memref<64x128xf32, #tpu.memory_space<vmem>>
    %dma_start3A_74 = arith.constant 448 : i32
    %dma_start3A_75 = tpu.memref_slice %arg5[%dma_start3A_70, %dma_start3A_74] : memref<50x512xi32, #tpu.memory_space<vmem>> -> memref<1x64xi32, #tpu.memory_space<vmem>>
    %dma_start3A_76 = tpu.memref_squeeze %dma_start3A_75 : memref<1x64xi32, #tpu.memory_space<vmem>> -> memref<64xi32, #tpu.memory_space<vmem>>
    %dma_start3A_77 = arith.constant 0 : i32
    %dma_start3A_78 = arith.constant 0 : i32
    %dma_start3A_79 = tpu.memref_slice %arg3[%dma_start3A_77, %dma_start3A_78] : memref<50000x128xf32, #tpu.memory_space<hbm>> -> memref<50000x128xf32, #tpu.memory_space<hbm>>
    tpu.enqueue_indirect_dma source(%dma_start3A_79 : memref<50000x128xf32, #tpu.memory_space<hbm>>) target(%dma_start3A_73 : memref<64x128xf32, #tpu.memory_space<vmem>>) offsets(%dma_start3A_76 : memref<64xi32, #tpu.memory_space<vmem>>) semaphore(%arg14 : memref<!tpu.dma_semaphore, #tpu.memory_space<semaphore_mem>>)
    %scan3A = arith.constant 0 : i32
    %scan3A_80 = arith.constant 1 : i32
    %scan3A_81 = arith.constant 49 : i32
    %scan3A_82 = arith.addi %scan3A_80, %scan3A_81 : i32
    %scan3A_83 = arith.constant 1 : i32
    scf.for %scan3A_166 = %scan3A_80 to %scan3A_82 step %scan3A_83  : i32 {
      %sub3A = arith.constant 1 : i32
      %sub3A_167 = arith.subi %scan3A_166, %sub3A : i32
      %dma_wait3A_168 = arith.constant 0 : i32
      %dma_wait3A_169 = arith.constant 0 : i32
      %dma_wait3A_170 = tpu.memref_slice %arg6[%dma_wait3A_168, %dma_wait3A_169] : memref<512x128xf32, #tpu.memory_space<vmem>> -> memref<64x128xf32, #tpu.memory_space<vmem>>
      %dma_wait3A_171 = arith.constant 0 : i32
      %dma_wait3A_172 = tpu.memref_slice %arg5[%sub3A_167, %dma_wait3A_171] : memref<50x512xi32, #tpu.memory_space<vmem>> -> memref<1x64xi32, #tpu.memory_space<vmem>>
      %dma_wait3A_173 = tpu.memref_squeeze %dma_wait3A_172 : memref<1x64xi32, #tpu.memory_space<vmem>> -> memref<64xi32, #tpu.memory_space<vmem>>
      %dma_wait3A_174 = arith.constant 0 : i32
      %dma_wait3A_175 = arith.constant 0 : i32
      %dma_wait3A_176 = tpu.memref_slice %arg3[%dma_wait3A_174, %dma_wait3A_175] : memref<50000x128xf32, #tpu.memory_space<hbm>> -> memref<50000x128xf32, #tpu.memory_space<hbm>>
      tpu.wait_indirect_dma semaphore(%arg7 : memref<!tpu.dma_semaphore, #tpu.memory_space<semaphore_mem>>) src(%dma_wait3A_176 : memref<50000x128xf32, #tpu.memory_space<hbm>>) dst(%dma_wait3A_170 : memref<64x128xf32, #tpu.memory_space<vmem>>)
      %dma_start3A_177 = arith.constant 0 : i32
      %dma_start3A_178 = arith.constant 0 : i32
      %dma_start3A_179 = tpu.memref_slice %arg6[%dma_start3A_177, %dma_start3A_178] : memref<512x128xf32, #tpu.memory_space<vmem>> -> memref<64x128xf32, #tpu.memory_space<vmem>>
      %dma_start3A_180 = arith.constant 0 : i32
      %dma_start3A_181 = tpu.memref_slice %arg5[%scan3A_166, %dma_start3A_180] : memref<50x512xi32, #tpu.memory_space<vmem>> -> memref<1x64xi32, #tpu.memory_space<vmem>>
      %dma_start3A_182 = tpu.memref_squeeze %dma_start3A_181 : memref<1x64xi32, #tpu.memory_space<vmem>> -> memref<64xi32, #tpu.memory_space<vmem>>
      %dma_start3A_183 = arith.constant 0 : i32
      %dma_start3A_184 = arith.constant 0 : i32
      %dma_start3A_185 = tpu.memref_slice %arg3[%dma_start3A_183, %dma_start3A_184] : memref<50000x128xf32, #tpu.memory_space<hbm>> -> memref<50000x128xf32, #tpu.memory_space<hbm>>
      tpu.enqueue_indirect_dma source(%dma_start3A_185 : memref<50000x128xf32, #tpu.memory_space<hbm>>) target(%dma_start3A_179 : memref<64x128xf32, #tpu.memory_space<vmem>>) offsets(%dma_start3A_182 : memref<64xi32, #tpu.memory_space<vmem>>) semaphore(%arg7 : memref<!tpu.dma_semaphore, #tpu.memory_space<semaphore_mem>>) {add = true}
      %sub3A_186 = arith.constant 1 : i32
      %sub3A_187 = arith.subi %scan3A_166, %sub3A_186 : i32
      %dma_wait3A_188 = arith.constant 64 : i32
      %dma_wait3A_189 = arith.constant 0 : i32
      %dma_wait3A_190 = tpu.memref_slice %arg6[%dma_wait3A_188, %dma_wait3A_189] : memref<512x128xf32, #tpu.memory_space<vmem>> -> memref<64x128xf32, #tpu.memory_space<vmem>>
      %dma_wait3A_191 = arith.constant 64 : i32
      %dma_wait3A_192 = tpu.memref_slice %arg5[%sub3A_187, %dma_wait3A_191] : memref<50x512xi32, #tpu.memory_space<vmem>> -> memref<1x64xi32, #tpu.memory_space<vmem>>
      %dma_wait3A_193 = tpu.memref_squeeze %dma_wait3A_192 : memref<1x64xi32, #tpu.memory_space<vmem>> -> memref<64xi32, #tpu.memory_space<vmem>>
      %dma_wait3A_194 = arith.constant 0 : i32
      %dma_wait3A_195 = arith.constant 0 : i32
      %dma_wait3A_196 = tpu.memref_slice %arg3[%dma_wait3A_194, %dma_wait3A_195] : memref<50000x128xf32, #tpu.memory_space<hbm>> -> memref<50000x128xf32, #tpu.memory_space<hbm>>
      tpu.wait_indirect_dma semaphore(%arg8 : memref<!tpu.dma_semaphore, #tpu.memory_space<semaphore_mem>>) src(%dma_wait3A_196 : memref<50000x128xf32, #tpu.memory_space<hbm>>) dst(%dma_wait3A_190 : memref<64x128xf32, #tpu.memory_space<vmem>>)
      %dma_start3A_197 = arith.constant 64 : i32
      %dma_start3A_198 = arith.constant 0 : i32
      %dma_start3A_199 = tpu.memref_slice %arg6[%dma_start3A_197, %dma_start3A_198] : memref<512x128xf32, #tpu.memory_space<vmem>> -> memref<64x128xf32, #tpu.memory_space<vmem>>
      %dma_start3A_200 = arith.constant 64 : i32
      %dma_start3A_201 = tpu.memref_slice %arg5[%scan3A_166, %dma_start3A_200] : memref<50x512xi32, #tpu.memory_space<vmem>> -> memref<1x64xi32, #tpu.memory_space<vmem>>
      %dma_start3A_202 = tpu.memref_squeeze %dma_start3A_201 : memref<1x64xi32, #tpu.memory_space<vmem>> -> memref<64xi32, #tpu.memory_space<vmem>>
      %dma_start3A_203 = arith.constant 0 : i32
      %dma_start3A_204 = arith.constant 0 : i32
      %dma_start3A_205 = tpu.memref_slice %arg3[%dma_start3A_203, %dma_start3A_204] : memref<50000x128xf32, #tpu.memory_space<hbm>> -> memref<50000x128xf32, #tpu.memory_space<hbm>>
      tpu.enqueue_indirect_dma source(%dma_start3A_205 : memref<50000x128xf32, #tpu.memory_space<hbm>>) target(%dma_start3A_199 : memref<64x128xf32, #tpu.memory_space<vmem>>) offsets(%dma_start3A_202 : memref<64xi32, #tpu.memory_space<vmem>>) semaphore(%arg8 : memref<!tpu.dma_semaphore, #tpu.memory_space<semaphore_mem>>) {add = true}
      %sub3A_206 = arith.constant 1 : i32
      %sub3A_207 = arith.subi %scan3A_166, %sub3A_206 : i32
      %dma_wait3A_208 = arith.constant 128 : i32
      %dma_wait3A_209 = arith.constant 0 : i32
      %dma_wait3A_210 = tpu.memref_slice %arg6[%dma_wait3A_208, %dma_wait3A_209] : memref<512x128xf32, #tpu.memory_space<vmem>> -> memref<64x128xf32, #tpu.memory_space<vmem>>
      %dma_wait3A_211 = arith.constant 128 : i32
      %dma_wait3A_212 = tpu.memref_slice %arg5[%sub3A_207, %dma_wait3A_211] : memref<50x512xi32, #tpu.memory_space<vmem>> -> memref<1x64xi32, #tpu.memory_space<vmem>>
      %dma_wait3A_213 = tpu.memref_squeeze %dma_wait3A_212 : memref<1x64xi32, #tpu.memory_space<vmem>> -> memref<64xi32, #tpu.memory_space<vmem>>
      %dma_wait3A_214 = arith.constant 0 : i32
      %dma_wait3A_215 = arith.constant 0 : i32
      %dma_wait3A_216 = tpu.memref_slice %arg3[%dma_wait3A_214, %dma_wait3A_215] : memref<50000x128xf32, #tpu.memory_space<hbm>> -> memref<50000x128xf32, #tpu.memory_space<hbm>>
      tpu.wait_indirect_dma semaphore(%arg9 : memref<!tpu.dma_semaphore, #tpu.memory_space<semaphore_mem>>) src(%dma_wait3A_216 : memref<50000x128xf32, #tpu.memory_space<hbm>>) dst(%dma_wait3A_210 : memref<64x128xf32, #tpu.memory_space<vmem>>)
      %dma_start3A_217 = arith.constant 128 : i32
      %dma_start3A_218 = arith.constant 0 : i32
      %dma_start3A_219 = tpu.memref_slice %arg6[%dma_start3A_217, %dma_start3A_218] : memref<512x128xf32, #tpu.memory_space<vmem>> -> memref<64x128xf32, #tpu.memory_space<vmem>>
      %dma_start3A_220 = arith.constant 128 : i32
      %dma_start3A_221 = tpu.memref_slice %arg5[%scan3A_166, %dma_start3A_220] : memref<50x512xi32, #tpu.memory_space<vmem>> -> memref<1x64xi32, #tpu.memory_space<vmem>>
      %dma_start3A_222 = tpu.memref_squeeze %dma_start3A_221 : memref<1x64xi32, #tpu.memory_space<vmem>> -> memref<64xi32, #tpu.memory_space<vmem>>
      %dma_start3A_223 = arith.constant 0 : i32
      %dma_start3A_224 = arith.constant 0 : i32
      %dma_start3A_225 = tpu.memref_slice %arg3[%dma_start3A_223, %dma_start3A_224] : memref<50000x128xf32, #tpu.memory_space<hbm>> -> memref<50000x128xf32, #tpu.memory_space<hbm>>
      tpu.enqueue_indirect_dma source(%dma_start3A_225 : memref<50000x128xf32, #tpu.memory_space<hbm>>) target(%dma_start3A_219 : memref<64x128xf32, #tpu.memory_space<vmem>>) offsets(%dma_start3A_222 : memref<64xi32, #tpu.memory_space<vmem>>) semaphore(%arg9 : memref<!tpu.dma_semaphore, #tpu.memory_space<semaphore_mem>>) {add = true}
      %sub3A_226 = arith.constant 1 : i32
      %sub3A_227 = arith.subi %scan3A_166, %sub3A_226 : i32
      %dma_wait3A_228 = arith.constant 192 : i32
      %dma_wait3A_229 = arith.constant 0 : i32
      %dma_wait3A_230 = tpu.memref_slice %arg6[%dma_wait3A_228, %dma_wait3A_229] : memref<512x128xf32, #tpu.memory_space<vmem>> -> memref<64x128xf32, #tpu.memory_space<vmem>>
      %dma_wait3A_231 = arith.constant 192 : i32
      %dma_wait3A_232 = tpu.memref_slice %arg5[%sub3A_227, %dma_wait3A_231] : memref<50x512xi32, #tpu.memory_space<vmem>> -> memref<1x64xi32, #tpu.memory_space<vmem>>
      %dma_wait3A_233 = tpu.memref_squeeze %dma_wait3A_232 : memref<1x64xi32, #tpu.memory_space<vmem>> -> memref<64xi32, #tpu.memory_space<vmem>>
      %dma_wait3A_234 = arith.constant 0 : i32
      %dma_wait3A_235 = arith.constant 0 : i32
      %dma_wait3A_236 = tpu.memref_slice %arg3[%dma_wait3A_234, %dma_wait3A_235] : memref<50000x128xf32, #tpu.memory_space<hbm>> -> memref<50000x128xf32, #tpu.memory_space<hbm>>
      tpu.wait_indirect_dma semaphore(%arg10 : memref<!tpu.dma_semaphore, #tpu.memory_space<semaphore_mem>>) src(%dma_wait3A_236 : memref<50000x128xf32, #tpu.memory_space<hbm>>) dst(%dma_wait3A_230 : memref<64x128xf32, #tpu.memory_space<vmem>>)
      %dma_start3A_237 = arith.constant 192 : i32
      %dma_start3A_238 = arith.constant 0 : i32
      %dma_start3A_239 = tpu.memref_slice %arg6[%dma_start3A_237, %dma_start3A_238] : memref<512x128xf32, #tpu.memory_space<vmem>> -> memref<64x128xf32, #tpu.memory_space<vmem>>
      %dma_start3A_240 = arith.constant 192 : i32
      %dma_start3A_241 = tpu.memref_slice %arg5[%scan3A_166, %dma_start3A_240] : memref<50x512xi32, #tpu.memory_space<vmem>> -> memref<1x64xi32, #tpu.memory_space<vmem>>
      %dma_start3A_242 = tpu.memref_squeeze %dma_start3A_241 : memref<1x64xi32, #tpu.memory_space<vmem>> -> memref<64xi32, #tpu.memory_space<vmem>>
      %dma_start3A_243 = arith.constant 0 : i32
      %dma_start3A_244 = arith.constant 0 : i32
      %dma_start3A_245 = tpu.memref_slice %arg3[%dma_start3A_243, %dma_start3A_244] : memref<50000x128xf32, #tpu.memory_space<hbm>> -> memref<50000x128xf32, #tpu.memory_space<hbm>>
      tpu.enqueue_indirect_dma source(%dma_start3A_245 : memref<50000x128xf32, #tpu.memory_space<hbm>>) target(%dma_start3A_239 : memref<64x128xf32, #tpu.memory_space<vmem>>) offsets(%dma_start3A_242 : memref<64xi32, #tpu.memory_space<vmem>>) semaphore(%arg10 : memref<!tpu.dma_semaphore, #tpu.memory_space<semaphore_mem>>) {add = true}
      %sub3A_246 = arith.constant 1 : i32
      %sub3A_247 = arith.subi %scan3A_166, %sub3A_246 : i32
      %dma_wait3A_248 = arith.constant 256 : i32
      %dma_wait3A_249 = arith.constant 0 : i32
      %dma_wait3A_250 = tpu.memref_slice %arg6[%dma_wait3A_248, %dma_wait3A_249] : memref<512x128xf32, #tpu.memory_space<vmem>> -> memref<64x128xf32, #tpu.memory_space<vmem>>
      %dma_wait3A_251 = arith.constant 256 : i32
      %dma_wait3A_252 = tpu.memref_slice %arg5[%sub3A_247, %dma_wait3A_251] : memref<50x512xi32, #tpu.memory_space<vmem>> -> memref<1x64xi32, #tpu.memory_space<vmem>>
      %dma_wait3A_253 = tpu.memref_squeeze %dma_wait3A_252 : memref<1x64xi32, #tpu.memory_space<vmem>> -> memref<64xi32, #tpu.memory_space<vmem>>
      %dma_wait3A_254 = arith.constant 0 : i32
      %dma_wait3A_255 = arith.constant 0 : i32
      %dma_wait3A_256 = tpu.memref_slice %arg3[%dma_wait3A_254, %dma_wait3A_255] : memref<50000x128xf32, #tpu.memory_space<hbm>> -> memref<50000x128xf32, #tpu.memory_space<hbm>>
      tpu.wait_indirect_dma semaphore(%arg11 : memref<!tpu.dma_semaphore, #tpu.memory_space<semaphore_mem>>) src(%dma_wait3A_256 : memref<50000x128xf32, #tpu.memory_space<hbm>>) dst(%dma_wait3A_250 : memref<64x128xf32, #tpu.memory_space<vmem>>)
      %dma_start3A_257 = arith.constant 256 : i32
      %dma_start3A_258 = arith.constant 0 : i32
      %dma_start3A_259 = tpu.memref_slice %arg6[%dma_start3A_257, %dma_start3A_258] : memref<512x128xf32, #tpu.memory_space<vmem>> -> memref<64x128xf32, #tpu.memory_space<vmem>>
      %dma_start3A_260 = arith.constant 256 : i32
      %dma_start3A_261 = tpu.memref_slice %arg5[%scan3A_166, %dma_start3A_260] : memref<50x512xi32, #tpu.memory_space<vmem>> -> memref<1x64xi32, #tpu.memory_space<vmem>>
      %dma_start3A_262 = tpu.memref_squeeze %dma_start3A_261 : memref<1x64xi32, #tpu.memory_space<vmem>> -> memref<64xi32, #tpu.memory_space<vmem>>
      %dma_start3A_263 = arith.constant 0 : i32
      %dma_start3A_264 = arith.constant 0 : i32
      %dma_start3A_265 = tpu.memref_slice %arg3[%dma_start3A_263, %dma_start3A_264] : memref<50000x128xf32, #tpu.memory_space<hbm>> -> memref<50000x128xf32, #tpu.memory_space<hbm>>
      tpu.enqueue_indirect_dma source(%dma_start3A_265 : memref<50000x128xf32, #tpu.memory_space<hbm>>) target(%dma_start3A_259 : memref<64x128xf32, #tpu.memory_space<vmem>>) offsets(%dma_start3A_262 : memref<64xi32, #tpu.memory_space<vmem>>) semaphore(%arg11 : memref<!tpu.dma_semaphore, #tpu.memory_space<semaphore_mem>>) {add = true}
      %sub3A_266 = arith.constant 1 : i32
      %sub3A_267 = arith.subi %scan3A_166, %sub3A_266 : i32
      %dma_wait3A_268 = arith.constant 320 : i32
      %dma_wait3A_269 = arith.constant 0 : i32
      %dma_wait3A_270 = tpu.memref_slice %arg6[%dma_wait3A_268, %dma_wait3A_269] : memref<512x128xf32, #tpu.memory_space<vmem>> -> memref<64x128xf32, #tpu.memory_space<vmem>>
      %dma_wait3A_271 = arith.constant 320 : i32
      %dma_wait3A_272 = tpu.memref_slice %arg5[%sub3A_267, %dma_wait3A_271] : memref<50x512xi32, #tpu.memory_space<vmem>> -> memref<1x64xi32, #tpu.memory_space<vmem>>
      %dma_wait3A_273 = tpu.memref_squeeze %dma_wait3A_272 : memref<1x64xi32, #tpu.memory_space<vmem>> -> memref<64xi32, #tpu.memory_space<vmem>>
      %dma_wait3A_274 = arith.constant 0 : i32
      %dma_wait3A_275 = arith.constant 0 : i32
      %dma_wait3A_276 = tpu.memref_slice %arg3[%dma_wait3A_274, %dma_wait3A_275] : memref<50000x128xf32, #tpu.memory_space<hbm>> -> memref<50000x128xf32, #tpu.memory_space<hbm>>
      tpu.wait_indirect_dma semaphore(%arg12 : memref<!tpu.dma_semaphore, #tpu.memory_space<semaphore_mem>>) src(%dma_wait3A_276 : memref<50000x128xf32, #tpu.memory_space<hbm>>) dst(%dma_wait3A_270 : memref<64x128xf32, #tpu.memory_space<vmem>>)
      %dma_start3A_277 = arith.constant 320 : i32
      %dma_start3A_278 = arith.constant 0 : i32
      %dma_start3A_279 = tpu.memref_slice %arg6[%dma_start3A_277, %dma_start3A_278] : memref<512x128xf32, #tpu.memory_space<vmem>> -> memref<64x128xf32, #tpu.memory_space<vmem>>
      %dma_start3A_280 = arith.constant 320 : i32
      %dma_start3A_281 = tpu.memref_slice %arg5[%scan3A_166, %dma_start3A_280] : memref<50x512xi32, #tpu.memory_space<vmem>> -> memref<1x64xi32, #tpu.memory_space<vmem>>
      %dma_start3A_282 = tpu.memref_squeeze %dma_start3A_281 : memref<1x64xi32, #tpu.memory_space<vmem>> -> memref<64xi32, #tpu.memory_space<vmem>>
      %dma_start3A_283 = arith.constant 0 : i32
      %dma_start3A_284 = arith.constant 0 : i32
      %dma_start3A_285 = tpu.memref_slice %arg3[%dma_start3A_283, %dma_start3A_284] : memref<50000x128xf32, #tpu.memory_space<hbm>> -> memref<50000x128xf32, #tpu.memory_space<hbm>>
      tpu.enqueue_indirect_dma source(%dma_start3A_285 : memref<50000x128xf32, #tpu.memory_space<hbm>>) target(%dma_start3A_279 : memref<64x128xf32, #tpu.memory_space<vmem>>) offsets(%dma_start3A_282 : memref<64xi32, #tpu.memory_space<vmem>>) semaphore(%arg12 : memref<!tpu.dma_semaphore, #tpu.memory_space<semaphore_mem>>) {add = true}
      %sub3A_286 = arith.constant 1 : i32
      %sub3A_287 = arith.subi %scan3A_166, %sub3A_286 : i32
      %dma_wait3A_288 = arith.constant 384 : i32
      %dma_wait3A_289 = arith.constant 0 : i32
      %dma_wait3A_290 = tpu.memref_slice %arg6[%dma_wait3A_288, %dma_wait3A_289] : memref<512x128xf32, #tpu.memory_space<vmem>> -> memref<64x128xf32, #tpu.memory_space<vmem>>
      %dma_wait3A_291 = arith.constant 384 : i32
      %dma_wait3A_292 = tpu.memref_slice %arg5[%sub3A_287, %dma_wait3A_291] : memref<50x512xi32, #tpu.memory_space<vmem>> -> memref<1x64xi32, #tpu.memory_space<vmem>>
      %dma_wait3A_293 = tpu.memref_squeeze %dma_wait3A_292 : memref<1x64xi32, #tpu.memory_space<vmem>> -> memref<64xi32, #tpu.memory_space<vmem>>
      %dma_wait3A_294 = arith.constant 0 : i32
      %dma_wait3A_295 = arith.constant 0 : i32
      %dma_wait3A_296 = tpu.memref_slice %arg3[%dma_wait3A_294, %dma_wait3A_295] : memref<50000x128xf32, #tpu.memory_space<hbm>> -> memref<50000x128xf32, #tpu.memory_space<hbm>>
      tpu.wait_indirect_dma semaphore(%arg13 : memref<!tpu.dma_semaphore, #tpu.memory_space<semaphore_mem>>) src(%dma_wait3A_296 : memref<50000x128xf32, #tpu.memory_space<hbm>>) dst(%dma_wait3A_290 : memref<64x128xf32, #tpu.memory_space<vmem>>)
      %dma_start3A_297 = arith.constant 384 : i32
      %dma_start3A_298 = arith.constant 0 : i32
      %dma_start3A_299 = tpu.memref_slice %arg6[%dma_start3A_297, %dma_start3A_298] : memref<512x128xf32, #tpu.memory_space<vmem>> -> memref<64x128xf32, #tpu.memory_space<vmem>>
      %dma_start3A_300 = arith.constant 384 : i32
      %dma_start3A_301 = tpu.memref_slice %arg5[%scan3A_166, %dma_start3A_300] : memref<50x512xi32, #tpu.memory_space<vmem>> -> memref<1x64xi32, #tpu.memory_space<vmem>>
      %dma_start3A_302 = tpu.memref_squeeze %dma_start3A_301 : memref<1x64xi32, #tpu.memory_space<vmem>> -> memref<64xi32, #tpu.memory_space<vmem>>
      %dma_start3A_303 = arith.constant 0 : i32
      %dma_start3A_304 = arith.constant 0 : i32
      %dma_start3A_305 = tpu.memref_slice %arg3[%dma_start3A_303, %dma_start3A_304] : memref<50000x128xf32, #tpu.memory_space<hbm>> -> memref<50000x128xf32, #tpu.memory_space<hbm>>
      tpu.enqueue_indirect_dma source(%dma_start3A_305 : memref<50000x128xf32, #tpu.memory_space<hbm>>) target(%dma_start3A_299 : memref<64x128xf32, #tpu.memory_space<vmem>>) offsets(%dma_start3A_302 : memref<64xi32, #tpu.memory_space<vmem>>) semaphore(%arg13 : memref<!tpu.dma_semaphore, #tpu.memory_space<semaphore_mem>>) {add = true}
      %sub3A_306 = arith.constant 1 : i32
      %sub3A_307 = arith.subi %scan3A_166, %sub3A_306 : i32
      %dma_wait3A_308 = arith.constant 448 : i32
      %dma_wait3A_309 = arith.constant 0 : i32
      %dma_wait3A_310 = tpu.memref_slice %arg6[%dma_wait3A_308, %dma_wait3A_309] : memref<512x128xf32, #tpu.memory_space<vmem>> -> memref<64x128xf32, #tpu.memory_space<vmem>>
      %dma_wait3A_311 = arith.constant 448 : i32
      %dma_wait3A_312 = tpu.memref_slice %arg5[%sub3A_307, %dma_wait3A_311] : memref<50x512xi32, #tpu.memory_space<vmem>> -> memref<1x64xi32, #tpu.memory_space<vmem>>
      %dma_wait3A_313 = tpu.memref_squeeze %dma_wait3A_312 : memref<1x64xi32, #tpu.memory_space<vmem>> -> memref<64xi32, #tpu.memory_space<vmem>>
      %dma_wait3A_314 = arith.constant 0 : i32
      %dma_wait3A_315 = arith.constant 0 : i32
      %dma_wait3A_316 = tpu.memref_slice %arg3[%dma_wait3A_314, %dma_wait3A_315] : memref<50000x128xf32, #tpu.memory_space<hbm>> -> memref<50000x128xf32, #tpu.memory_space<hbm>>
      tpu.wait_indirect_dma semaphore(%arg14 : memref<!tpu.dma_semaphore, #tpu.memory_space<semaphore_mem>>) src(%dma_wait3A_316 : memref<50000x128xf32, #tpu.memory_space<hbm>>) dst(%dma_wait3A_310 : memref<64x128xf32, #tpu.memory_space<vmem>>)
      %dma_start3A_317 = arith.constant 448 : i32
      %dma_start3A_318 = arith.constant 0 : i32
      %dma_start3A_319 = tpu.memref_slice %arg6[%dma_start3A_317, %dma_start3A_318] : memref<512x128xf32, #tpu.memory_space<vmem>> -> memref<64x128xf32, #tpu.memory_space<vmem>>
      %dma_start3A_320 = arith.constant 448 : i32
      %dma_start3A_321 = tpu.memref_slice %arg5[%scan3A_166, %dma_start3A_320] : memref<50x512xi32, #tpu.memory_space<vmem>> -> memref<1x64xi32, #tpu.memory_space<vmem>>
      %dma_start3A_322 = tpu.memref_squeeze %dma_start3A_321 : memref<1x64xi32, #tpu.memory_space<vmem>> -> memref<64xi32, #tpu.memory_space<vmem>>
      %dma_start3A_323 = arith.constant 0 : i32
      %dma_start3A_324 = arith.constant 0 : i32
      %dma_start3A_325 = tpu.memref_slice %arg3[%dma_start3A_323, %dma_start3A_324] : memref<50000x128xf32, #tpu.memory_space<hbm>> -> memref<50000x128xf32, #tpu.memory_space<hbm>>
      tpu.enqueue_indirect_dma source(%dma_start3A_325 : memref<50000x128xf32, #tpu.memory_space<hbm>>) target(%dma_start3A_319 : memref<64x128xf32, #tpu.memory_space<vmem>>) offsets(%dma_start3A_322 : memref<64xi32, #tpu.memory_space<vmem>>) semaphore(%arg14 : memref<!tpu.dma_semaphore, #tpu.memory_space<semaphore_mem>>) {add = true}
    }
    %scan3A_84 = arith.constant 49 : i32
    %dma_wait3A = arith.constant 49 : i32
    %dma_wait3A_85 = arith.constant 0 : i32
    %dma_wait3A_86 = arith.constant 0 : i32
    %dma_wait3A_87 = tpu.memref_slice %arg6[%dma_wait3A_85, %dma_wait3A_86] : memref<512x128xf32, #tpu.memory_space<vmem>> -> memref<64x128xf32, #tpu.memory_space<vmem>>
    %dma_wait3A_88 = arith.constant 0 : i32
    %dma_wait3A_89 = tpu.memref_slice %arg5[%dma_wait3A, %dma_wait3A_88] : memref<50x512xi32, #tpu.memory_space<vmem>> -> memref<1x64xi32, #tpu.memory_space<vmem>>
    %dma_wait3A_90 = tpu.memref_squeeze %dma_wait3A_89 : memref<1x64xi32, #tpu.memory_space<vmem>> -> memref<64xi32, #tpu.memory_space<vmem>>
    %dma_wait3A_91 = arith.constant 0 : i32
    %dma_wait3A_92 = arith.constant 0 : i32
    %dma_wait3A_93 = tpu.memref_slice %arg3[%dma_wait3A_91, %dma_wait3A_92] : memref<50000x128xf32, #tpu.memory_space<hbm>> -> memref<50000x128xf32, #tpu.memory_space<hbm>>
    tpu.wait_indirect_dma semaphore(%arg7 : memref<!tpu.dma_semaphore, #tpu.memory_space<semaphore_mem>>) src(%dma_wait3A_93 : memref<50000x128xf32, #tpu.memory_space<hbm>>) dst(%dma_wait3A_87 : memref<64x128xf32, #tpu.memory_space<vmem>>)
    %dma_wait3A_94 = arith.constant 49 : i32
    %dma_wait3A_95 = arith.constant 64 : i32
    %dma_wait3A_96 = arith.constant 0 : i32
    %dma_wait3A_97 = tpu.memref_slice %arg6[%dma_wait3A_95, %dma_wait3A_96] : memref<512x128xf32, #tpu.memory_space<vmem>> -> memref<64x128xf32, #tpu.memory_space<vmem>>
    %dma_wait3A_98 = arith.constant 64 : i32
    %dma_wait3A_99 = tpu.memref_slice %arg5[%dma_wait3A_94, %dma_wait3A_98] : memref<50x512xi32, #tpu.memory_space<vmem>> -> memref<1x64xi32, #tpu.memory_space<vmem>>
    %dma_wait3A_100 = tpu.memref_squeeze %dma_wait3A_99 : memref<1x64xi32, #tpu.memory_space<vmem>> -> memref<64xi32, #tpu.memory_space<vmem>>
    %dma_wait3A_101 = arith.constant 0 : i32
    %dma_wait3A_102 = arith.constant 0 : i32
    %dma_wait3A_103 = tpu.memref_slice %arg3[%dma_wait3A_101, %dma_wait3A_102] : memref<50000x128xf32, #tpu.memory_space<hbm>> -> memref<50000x128xf32, #tpu.memory_space<hbm>>
    tpu.wait_indirect_dma semaphore(%arg8 : memref<!tpu.dma_semaphore, #tpu.memory_space<semaphore_mem>>) src(%dma_wait3A_103 : memref<50000x128xf32, #tpu.memory_space<hbm>>) dst(%dma_wait3A_97 : memref<64x128xf32, #tpu.memory_space<vmem>>)
    %dma_wait3A_104 = arith.constant 49 : i32
    %dma_wait3A_105 = arith.constant 128 : i32
    %dma_wait3A_106 = arith.constant 0 : i32
    %dma_wait3A_107 = tpu.memref_slice %arg6[%dma_wait3A_105, %dma_wait3A_106] : memref<512x128xf32, #tpu.memory_space<vmem>> -> memref<64x128xf32, #tpu.memory_space<vmem>>
    %dma_wait3A_108 = arith.constant 128 : i32
    %dma_wait3A_109 = tpu.memref_slice %arg5[%dma_wait3A_104, %dma_wait3A_108] : memref<50x512xi32, #tpu.memory_space<vmem>> -> memref<1x64xi32, #tpu.memory_space<vmem>>
    %dma_wait3A_110 = tpu.memref_squeeze %dma_wait3A_109 : memref<1x64xi32, #tpu.memory_space<vmem>> -> memref<64xi32, #tpu.memory_space<vmem>>
    %dma_wait3A_111 = arith.constant 0 : i32
    %dma_wait3A_112 = arith.constant 0 : i32
    %dma_wait3A_113 = tpu.memref_slice %arg3[%dma_wait3A_111, %dma_wait3A_112] : memref<50000x128xf32, #tpu.memory_space<hbm>> -> memref<50000x128xf32, #tpu.memory_space<hbm>>
    tpu.wait_indirect_dma semaphore(%arg9 : memref<!tpu.dma_semaphore, #tpu.memory_space<semaphore_mem>>) src(%dma_wait3A_113 : memref<50000x128xf32, #tpu.memory_space<hbm>>) dst(%dma_wait3A_107 : memref<64x128xf32, #tpu.memory_space<vmem>>)
    %dma_wait3A_114 = arith.constant 49 : i32
    %dma_wait3A_115 = arith.constant 192 : i32
    %dma_wait3A_116 = arith.constant 0 : i32
    %dma_wait3A_117 = tpu.memref_slice %arg6[%dma_wait3A_115, %dma_wait3A_116] : memref<512x128xf32, #tpu.memory_space<vmem>> -> memref<64x128xf32, #tpu.memory_space<vmem>>
    %dma_wait3A_118 = arith.constant 192 : i32
    %dma_wait3A_119 = tpu.memref_slice %arg5[%dma_wait3A_114, %dma_wait3A_118] : memref<50x512xi32, #tpu.memory_space<vmem>> -> memref<1x64xi32, #tpu.memory_space<vmem>>
    %dma_wait3A_120 = tpu.memref_squeeze %dma_wait3A_119 : memref<1x64xi32, #tpu.memory_space<vmem>> -> memref<64xi32, #tpu.memory_space<vmem>>
    %dma_wait3A_121 = arith.constant 0 : i32
    %dma_wait3A_122 = arith.constant 0 : i32
    %dma_wait3A_123 = tpu.memref_slice %arg3[%dma_wait3A_121, %dma_wait3A_122] : memref<50000x128xf32, #tpu.memory_space<hbm>> -> memref<50000x128xf32, #tpu.memory_space<hbm>>
    tpu.wait_indirect_dma semaphore(%arg10 : memref<!tpu.dma_semaphore, #tpu.memory_space<semaphore_mem>>) src(%dma_wait3A_123 : memref<50000x128xf32, #tpu.memory_space<hbm>>) dst(%dma_wait3A_117 : memref<64x128xf32, #tpu.memory_space<vmem>>)
    %dma_wait3A_124 = arith.constant 49 : i32
    %dma_wait3A_125 = arith.constant 256 : i32
    %dma_wait3A_126 = arith.constant 0 : i32
    %dma_wait3A_127 = tpu.memref_slice %arg6[%dma_wait3A_125, %dma_wait3A_126] : memref<512x128xf32, #tpu.memory_space<vmem>> -> memref<64x128xf32, #tpu.memory_space<vmem>>
    %dma_wait3A_128 = arith.constant 256 : i32
    %dma_wait3A_129 = tpu.memref_slice %arg5[%dma_wait3A_124, %dma_wait3A_128] : memref<50x512xi32, #tpu.memory_space<vmem>> -> memref<1x64xi32, #tpu.memory_space<vmem>>
    %dma_wait3A_130 = tpu.memref_squeeze %dma_wait3A_129 : memref<1x64xi32, #tpu.memory_space<vmem>> -> memref<64xi32, #tpu.memory_space<vmem>>
    %dma_wait3A_131 = arith.constant 0 : i32
    %dma_wait3A_132 = arith.constant 0 : i32
    %dma_wait3A_133 = tpu.memref_slice %arg3[%dma_wait3A_131, %dma_wait3A_132] : memref<50000x128xf32, #tpu.memory_space<hbm>> -> memref<50000x128xf32, #tpu.memory_space<hbm>>
    tpu.wait_indirect_dma semaphore(%arg11 : memref<!tpu.dma_semaphore, #tpu.memory_space<semaphore_mem>>) src(%dma_wait3A_133 : memref<50000x128xf32, #tpu.memory_space<hbm>>) dst(%dma_wait3A_127 : memref<64x128xf32, #tpu.memory_space<vmem>>)
    %dma_wait3A_134 = arith.constant 49 : i32
    %dma_wait3A_135 = arith.constant 320 : i32
    %dma_wait3A_136 = arith.constant 0 : i32
    %dma_wait3A_137 = tpu.memref_slice %arg6[%dma_wait3A_135, %dma_wait3A_136] : memref<512x128xf32, #tpu.memory_space<vmem>> -> memref<64x128xf32, #tpu.memory_space<vmem>>
    %dma_wait3A_138 = arith.constant 320 : i32
    %dma_wait3A_139 = tpu.memref_slice %arg5[%dma_wait3A_134, %dma_wait3A_138] : memref<50x512xi32, #tpu.memory_space<vmem>> -> memref<1x64xi32, #tpu.memory_space<vmem>>
    %dma_wait3A_140 = tpu.memref_squeeze %dma_wait3A_139 : memref<1x64xi32, #tpu.memory_space<vmem>> -> memref<64xi32, #tpu.memory_space<vmem>>
    %dma_wait3A_141 = arith.constant 0 : i32
    %dma_wait3A_142 = arith.constant 0 : i32
    %dma_wait3A_143 = tpu.memref_slice %arg3[%dma_wait3A_141, %dma_wait3A_142] : memref<50000x128xf32, #tpu.memory_space<hbm>> -> memref<50000x128xf32, #tpu.memory_space<hbm>>
    tpu.wait_indirect_dma semaphore(%arg12 : memref<!tpu.dma_semaphore, #tpu.memory_space<semaphore_mem>>) src(%dma_wait3A_143 : memref<50000x128xf32, #tpu.memory_space<hbm>>) dst(%dma_wait3A_137 : memref<64x128xf32, #tpu.memory_space<vmem>>)
    %dma_wait3A_144 = arith.constant 49 : i32
    %dma_wait3A_145 = arith.constant 384 : i32
    %dma_wait3A_146 = arith.constant 0 : i32
    %dma_wait3A_147 = tpu.memref_slice %arg6[%dma_wait3A_145, %dma_wait3A_146] : memref<512x128xf32, #tpu.memory_space<vmem>> -> memref<64x128xf32, #tpu.memory_space<vmem>>
    %dma_wait3A_148 = arith.constant 384 : i32
    %dma_wait3A_149 = tpu.memref_slice %arg5[%dma_wait3A_144, %dma_wait3A_148] : memref<50x512xi32, #tpu.memory_space<vmem>> -> memref<1x64xi32, #tpu.memory_space<vmem>>
    %dma_wait3A_150 = tpu.memref_squeeze %dma_wait3A_149 : memref<1x64xi32, #tpu.memory_space<vmem>> -> memref<64xi32, #tpu.memory_space<vmem>>
    %dma_wait3A_151 = arith.constant 0 : i32
    %dma_wait3A_152 = arith.constant 0 : i32
    %dma_wait3A_153 = tpu.memref_slice %arg3[%dma_wait3A_151, %dma_wait3A_152] : memref<50000x128xf32, #tpu.memory_space<hbm>> -> memref<50000x128xf32, #tpu.memory_space<hbm>>
    tpu.wait_indirect_dma semaphore(%arg13 : memref<!tpu.dma_semaphore, #tpu.memory_space<semaphore_mem>>) src(%dma_wait3A_153 : memref<50000x128xf32, #tpu.memory_space<hbm>>) dst(%dma_wait3A_147 : memref<64x128xf32, #tpu.memory_space<vmem>>)
    %dma_wait3A_154 = arith.constant 49 : i32
    %dma_wait3A_155 = arith.constant 448 : i32
    %dma_wait3A_156 = arith.constant 0 : i32
    %dma_wait3A_157 = tpu.memref_slice %arg6[%dma_wait3A_155, %dma_wait3A_156] : memref<512x128xf32, #tpu.memory_space<vmem>> -> memref<64x128xf32, #tpu.memory_space<vmem>>
    %dma_wait3A_158 = arith.constant 448 : i32
    %dma_wait3A_159 = tpu.memref_slice %arg5[%dma_wait3A_154, %dma_wait3A_158] : memref<50x512xi32, #tpu.memory_space<vmem>> -> memref<1x64xi32, #tpu.memory_space<vmem>>
    %dma_wait3A_160 = tpu.memref_squeeze %dma_wait3A_159 : memref<1x64xi32, #tpu.memory_space<vmem>> -> memref<64xi32, #tpu.memory_space<vmem>>
    %dma_wait3A_161 = arith.constant 0 : i32
    %dma_wait3A_162 = arith.constant 0 : i32
    %dma_wait3A_163 = tpu.memref_slice %arg3[%dma_wait3A_161, %dma_wait3A_162] : memref<50000x128xf32, #tpu.memory_space<hbm>> -> memref<50000x128xf32, #tpu.memory_space<hbm>>
    tpu.wait_indirect_dma semaphore(%arg14 : memref<!tpu.dma_semaphore, #tpu.memory_space<semaphore_mem>>) src(%dma_wait3A_163 : memref<50000x128xf32, #tpu.memory_space<hbm>>) dst(%dma_wait3A_157 : memref<64x128xf32, #tpu.memory_space<vmem>>)
    %mul3A_164 = arith.constant 512 : i32
    %mul3A_165 = arith.muli %add3A, %mul3A_164 : i32
    "tpu.region"() ({
      %run_scoped3A = tpu.sem_alloc : memref<!tpu.dma_semaphore, #tpu.memory_space<semaphore_mem>>
      %dma_start3A_166 = arith.constant 0 : i32
      %dma_start3A_167 = tpu.memref_slice %arg4[%mul3A_165, %dma_start3A_166] : memref<16384x128xf32, #tpu.memory_space<hbm>> -> memref<512x128xf32, #tpu.memory_space<hbm>>
      %dma_start3A_168 = arith.constant 0 : i32
      %dma_start3A_169 = tpu.memref_slice %arg4[%mul3A_165, %dma_start3A_168] : memref<16384x128xf32, #tpu.memory_space<hbm>> -> memref<512x128xf32, #tpu.memory_space<hbm>>
      tpu.enqueue_dma source(%arg6 : memref<512x128xf32, #tpu.memory_space<vmem>>) target(%dma_start3A_169 : memref<512x128xf32, #tpu.memory_space<hbm>>) target_semaphore(%run_scoped3A : memref<!tpu.dma_semaphore, #tpu.memory_space<semaphore_mem>>)
      %dma_wait3A_170 = arith.constant 0 : i32
      %dma_wait3A_171 = tpu.memref_slice %arg4[%mul3A_165, %dma_wait3A_170] : memref<16384x128xf32, #tpu.memory_space<hbm>> -> memref<512x128xf32, #tpu.memory_space<hbm>>
      %dma_wait3A_172 = arith.constant 0 : i32
      %dma_wait3A_173 = tpu.memref_slice %arg4[%mul3A_165, %dma_wait3A_172] : memref<16384x128xf32, #tpu.memory_space<hbm>> -> memref<512x128xf32, #tpu.memory_space<hbm>>
      tpu.wait_dma2 semaphore(%run_scoped3A : memref<!tpu.dma_semaphore, #tpu.memory_space<semaphore_mem>>) src(%arg6 : memref<512x128xf32, #tpu.memory_space<vmem>>) dst(%dma_wait3A_173 : memref<512x128xf32, #tpu.memory_space<hbm>>)
      tpu.yield
    }) : () -> ()
    return
  }
}

module attributes {stable_mosaic.version = 14 : i64} {
  func.func @_mm_body(%arg0: i32, %arg1: memref<2048x128xf32, #tpu.memory_space<vmem>>, %arg2: memref<128x512xf32, #tpu.memory_space<vmem>>, %arg3: memref<1x512xf32, #tpu.memory_space<vmem>>, %arg4: memref<2048x512xf32, #tpu.memory_space<vmem>>) attributes {dimension_semantics = [#tpu.dimension_semantics<arbitrary>], iteration_bounds = array<i64: 8>, scalar_prefetch = 0 : i64, scratch_operands = 0 : i64, tpu.core_type = #tpu.core_type<tc>, window_params = [{transform_indices = @transform_0, window_bounds = array<i64: 2048, 128>}, {pipeline_mode = #tpu.pipeline_mode<synchronous>, transform_indices = @transform_1, window_bounds = array<i64: 128, 512>}, {pipeline_mode = #tpu.pipeline_mode<synchronous>, transform_indices = @transform_2, window_bounds = array<i64: 1, 512>}, {transform_indices = @transform_3, window_bounds = array<i64: 2048, 512>}]} {
    %get3A = arith.constant 0 : index
    %get3A_0 = arith.constant 0 : index
    %get3A_1 = vector.load %arg1[%get3A, %get3A_0] : memref<2048x128xf32, #tpu.memory_space<vmem>>, vector<2048x128xf32>
    %mul3A = arith.constant 2.000000e-02 : f32
    %mul3A_2 = vector.broadcast %mul3A : f32 to vector<2048x128xf32>
    %mul3A_3 = arith.mulf %get3A_1, %mul3A_2 : vector<2048x128xf32>
    %get3A_4 = arith.constant 0 : index
    %get3A_5 = arith.constant 0 : index
    %get3A_6 = vector.load %arg2[%get3A_4, %get3A_5] : memref<128x512xf32, #tpu.memory_space<vmem>>, vector<128x512xf32>
    %dot_general3A = arith.constant dense<0.000000e+00> : vector<2048x512xf32>
    %dot_general3A_7 = tpu.matmul %mul3A_3, %get3A_6, %dot_general3A {dimension_numbers = #tpu.dot_dimension_numbers<[1], [0], [0], [1], [0, 0, 1, 1], [], []>, transpose_lhs_hint = false} : vector<2048x128xf32>, vector<128x512xf32>, vector<2048x512xf32> -> vector<2048x512xf32>
    %get3A_8 = arith.constant 0 : index
    %get3A_9 = arith.constant 0 : index
    %get3A_10 = vector.load %arg3[%get3A_8, %get3A_9] : memref<1x512xf32, #tpu.memory_space<vmem>>, vector<1x512xf32>
    %add3A = vector.broadcast %get3A_10 : vector<1x512xf32> to vector<2048x512xf32>
    %add3A_11 = arith.addf %dot_general3A_7, %add3A : vector<2048x512xf32>
    %swap3A = arith.constant 0 : index
    %swap3A_12 = arith.constant 0 : index
    %swap3A_13 = vector.load %arg4[%swap3A, %swap3A_12] : memref<2048x512xf32, #tpu.memory_space<vmem>>, vector<2048x512xf32>
    tpu.vector_store %arg4[%swap3A, %swap3A_12], %add3A_11 {strides = array<i32>} : memref<2048x512xf32, #tpu.memory_space<vmem>>, vector<2048x512xf32>,
    return
  }
  func.func @transform_0(%arg0: i32) -> (i32, i32) {
    %c0_i32 = arith.constant 0 : i32
    %c0_i32_0 = arith.constant 0 : i32
    return %arg0, %c0_i32 : i32, i32
  }
  func.func @transform_1(%arg0: i32) -> (i32, i32) {
    %c0_i32 = arith.constant 0 : i32
    %c0_i32_0 = arith.constant 0 : i32
    %c0_i32_1 = arith.constant 0 : i32
    return %c0_i32, %c0_i32_0 : i32, i32
  }
  func.func @transform_2(%arg0: i32) -> (i32, i32) {
    %c0_i32 = arith.constant 0 : i32
    %c0_i32_0 = arith.constant 0 : i32
    %c0_i32_1 = arith.constant 0 : i32
    return %c0_i32, %c0_i32_0 : i32, i32
  }
  func.func @transform_3(%arg0: i32) -> (i32, i32) {
    %c0_i32 = arith.constant 0 : i32
    %c0_i32_0 = arith.constant 0 : i32
    return %arg0, %c0_i32 : i32, i32
  }
}

</mosaic_0001>

<sc_bundles>
// kernel: kernel.4.cloned.1.call-start
scs
__scs_entry_jumppad:
0x0: {  	(pc) =	sbr.rel $0x88, $3  }
0x1: {  	(tag) =	ssettag $0x0;
	lr =	simm.s32 $0x1  }
0x2: {  	[smem:$0x3F9D] =	sst lr;
	_ =	strace $0xD0000000  }
0x3: {  	_ = 	snop  }
0x4: {  	_ = 	snop  }
0x5: {  	_ = 	snop  }
0x6: {  	_ = 	snop  }
0x7: {  	_ = 	snop  }
__scs_overlays_trampoline_lowered:
0x8: {  	[smem:$0x3FAC] =	sst s0  }
0x9: {  	[smem:$0x3FAD] =	sst s1  }
0xa: {  	[smem:$0x3FAE] =	sst s2  }
0xb: {  	[smem:$0x3FAF] =	sst s3  }
0xc: {  	[smem:$0x3FB0] =	sst s4  }
0xd: {  	[smem:$0x3FB1] =	sst s5  }
0xe: {  	[smem:$0x3FB2] =	sst s6  }
0xf: {  	[smem:$0x3FB3] =	sst s7  }
0x10: {  	[smem:$0x3FB4] =	sst s8  }
0x11: {  	[smem:$0x3FB5] =	sst s9;
	s0 =	simm.s32 @!p0 $0x0  }
0x12: {  	s1 =	sld [smem:$0x3F9B];
	s0 =	simm.s32 @p0 $0x1  }
0x13: {  	[smem:$0x3FB6] =	sst s0;
	s0 =	simm.s32 @!p1 $0x0  }
0x14: {  	s2 =	sld [smem:$0x3F9A];
	s0 =	simm.s32 @p1 $0x1  }
0x15: {  	[smem:$0x3FB7] =	sst s0;
	s0 =	simm.s32 @!p2 $0x0  }
0x16: {  	s3 =	sld [smem:$0x3FDB];
	s0 =	simm.s32 @p2 $0x1  }
0x17: {  	s4 =	simm.s32 $0x1BF5;
	[smem:$0x3FB9] =	sst s0  }
0x18: {  	s0 =	sld [smem:$0x3F9C];
	_ =	swait.ge [sflag:s4], $0x0  }
0x19: {  	s7 =	sld [smem:$0x3F9D]  }
0x1a: {  	s8 =	sadd.s32 $0xFFFFE003, lr  }
0x1b: {  	s9 =	sadd.s32 $0xFFFFFEF7, lr;
	s5 =	simm.s32 $0xFFFFFFFF;
	p2 =	slt.u32 s8, $0xFFFFF086  }
0x1c: {  	p1 =	slt.u32 s9, $0xF7A;
	s5 =	simm.s32 @!p2 $0x0  }
0x1d: {  	s5 =	simm.s32 @p1 $0x1;
	p0 =	seq.s32 s7, s2  }
0x1e: {  	s7 =	smul.u32 @!p0 $0xF7A, s2;
	p2 =	seq.s32 @!p0 s5, $0x0  }
0x1f: {  	s9 =	smul.u32 $0xF7A, s1;
	s8 =	simm.s32 @!p0 $0x1BF5;
	p2 =	por !p2, p0  }
0x20: {  	[sflag:s8] =	ssyncset.s32 @!p0 $0xFFFFF086;
	s6 =	sadd.s32 @!p0 s3, s7;
	s7 =	simm.s32 @!p0 $0x108  }
0x21: {  	s3 =	sadd.s32 s3, s9;
	s6 =	sadd.s32 @!p0 $0x88, s6;
	s7 =	simm.s32 @p2 $0x1082  }
0x22: {  	[simem:s7], [sflag:s8] =	dma.local @!p0 [hbm:s6], $0xF7A  }
0x23: {  	s9 =	sor.u32 $0xD0000000, s2;
	s6 =	simm.s32 $0x108;
	_ =	swait.ge @!p0 [sflag:s8], $0x0  }
0x24: {  	s3 =	sadd.s32 $0x88, s3;
	s6 =	simm.s32 @!p1 $0x1082;
	[sflag:s4] =	ssyncset.s32 $0xFFFFF086  }
0x25: {  	[simem:s6], [sflag:s4] =	dma.local [hbm:s3], $0xF7A  }
0x26: {  	[smem:$0x3F9D] =	sst s1;
	(tag) =	ssettag s2;
	_ =	strace s9  }
0x27: {  	s1 =	sld [smem:$0x3FAD]  }
0x28: {  	s2 =	sld [smem:$0x3FAE]  }
0x29: {  	s4 =	sld [smem:$0x3FB0]  }
0x2a: {  	p0 =	seq.s32 s5, $0x0;
	s5 =	sld [smem:$0x3FB1]  }
0x2b: {  	s6 =	sld [smem:$0x3FB2]  }
0x2c: {  	s7 =	sld [smem:$0x3FB3]  }
0x2d: {  	s3 =	simm.s32 $0x108;
	s8 =	sld [smem:$0x3FB4]  }
0x2e: {  	s3 =	simm.s32 @!p0 $0x1082;
	s9 =	sld [smem:$0x3FB5]  }
0x2f: {  	lr =	sadd.s32 s0, s3;
	s0 =	sld [smem:$0x3FAC]  }
0x30: {  	s3 =	sld [smem:$0x3FAF]  }
0x31: {  	[smem:$0x3FB8] =	sst s10  }
0x32: {  	s10 =	sld [smem:$0x3FB6];
	_ =	sdelay $0x3  }
0x33: {  	p0 =	seq.s32 s10, $0x1;
	s10 =	sld [smem:$0x3FB8];
	_ =	sdelay $0x3  }
0x34: {  	[smem:$0x3FB8] =	sst s10  }
0x35: {  	s10 =	sld [smem:$0x3FB7];
	_ =	sdelay $0x3  }
0x36: {  	p1 =	seq.s32 s10, $0x1;
	s10 =	sld [smem:$0x3FB8];
	_ =	sdelay $0x3  }
0x37: {  	[smem:$0x3FB8] =	sst s10  }
0x38: {  	s10 =	sld [smem:$0x3FB9]  }
0x39: {  	_ = 	snop;
	(pc) =	sbr.ind lr, $3  }
0x3a: {  	_ = 	snop  }
0x3b: {  	_ = 	snop  }
0x3c: {  	p2 =	seq.s32 s10, $0x1;
	s10 =	sld [smem:$0x3FB8]  }
0x3d: {  	_ =	shalt  }
0x3e: {  	_ =	shalt  }
0x3f: {  	_ =	shalt  }
0x40: {  	_ =	shalt  }
0x41: {  	_ =	shalt  }
0x42: {  	_ =	shalt  }
0x43: {  	_ =	shalt  }
0x44: {  	_ =	shalt  }
0x45: {  	_ =	shalt  }
0x46: {  	_ =	shalt  }
0x47: {  	_ =	shalt  }
0x48: {  	_ =	shalt  }
0x49: {  	_ =	shalt  }
0x4a: {  	_ =	shalt  }
0x4b: {  	_ =	shalt  }
0x4c: {  	_ =	shalt  }
0x4d: {  	_ =	shalt  }
0x4e: {  	_ =	shalt  }
0x4f: {  	_ =	shalt  }
0x50: {  	_ =	shalt  }
0x51: {  	_ =	shalt  }
0x52: {  	_ =	shalt  }
0x53: {  	_ =	shalt  }
0x54: {  	_ =	shalt  }
0x55: {  	_ =	shalt  }
0x56: {  	_ =	shalt  }
0x57: {  	_ =	shalt  }
0x58: {  	_ =	shalt  }
0x59: {  	_ =	shalt  }
0x5a: {  	_ =	shalt  }
0x5b: {  	_ =	shalt  }
0x5c: {  	_ =	shalt  }
0x5d: {  	_ =	shalt  }
0x5e: {  	_ =	shalt  }
0x5f: {  	_ =	shalt  }
0x60: {  	_ =	shalt  }
0x61: {  	_ =	shalt  }
0x62: {  	_ =	shalt  }
0x63: {  	_ =	shalt  }
0x64: {  	_ =	shalt  }
0x65: {  	_ =	shalt  }
0x66: {  	_ =	shalt  }
0x67: {  	_ =	shalt  }
0x68: {  	_ =	shalt  }
0x69: {  	_ =	shalt  }
0x6a: {  	_ =	shalt  }
0x6b: {  	_ =	shalt  }
0x6c: {  	_ =	shalt  }
0x6d: {  	_ =	shalt  }
0x6e: {  	_ =	shalt  }
0x6f: {  	_ =	shalt  }
0x70: {  	_ =	shalt  }
0x71: {  	_ =	shalt  }
0x72: {  	_ =	shalt  }
0x73: {  	_ =	shalt  }
0x74: {  	_ =	shalt  }
0x75: {  	_ =	shalt  }
0x76: {  	_ =	shalt  }
0x77: {  	_ =	shalt  }
0x78: {  	_ =	shalt  }
0x79: {  	_ =	shalt  }
0x7a: {  	_ =	shalt  }
0x7b: {  	_ =	shalt  }
0x7c: {  	_ =	shalt  }
0x7d: {  	_ =	shalt  }
0x7e: {  	_ =	shalt  }
0x7f: {  	_ =	shalt  }
0x80: {  	_ =	shalt  }
0x81: {  	_ =	shalt  }
0x82: {  	_ =	shalt  }
0x83: {  	_ =	shalt  }
0x84: {  	_ =	shalt  }
0x85: {  	_ =	shalt  }
0x86: {  	_ =	shalt  }
0x87: {  	_ =	shalt  }
.Lfunc_end0:
.L_simem_size_0:
called_computation_lowered:
.L_overlay_start_0:
0x88: {  	s2 =	sld [smem:$0x3FD9]  }
0x89: {  	s3 =	sld [smem:$0x3FFE];
	_ =	sdelay $0x1  }
0x8a: {  	s1 =	srdreg.scid  }
0x8b: {  	s0 =	sand.u32 $0x1, s1  }
0x8c: {  	s17 =	sshll.u32 s0, $0xA;
	s2 =	sadd.s32 s3, s2  }
0x8d: {  	s2 =	sadd.s32 s2, s17  }
0x8e: {  	[smem:$0x3FC4] =	sst s2  }
0x8f: {  	_ = 	snop  }
0x90: {  	s2 =	sld [smem:$0x3FC8]  }
0x91: {  	s18 =	sld [smem:$0x3FD0];
	(tm) =	ssettm $0x1  }
0x92: {  	s4 =	sld [smem:$0x3FFB];
	_ =	sdelay $0x3  }
0x93: {  	_ =	strace s4  }
0x94: {  	s4 =	sld [smem:$0x3FFC];
	_ =	sdelay $0x3  }
0x95: {  	_ =	strace s4  }
0x96: {  	s4 =	sld [smem:$0x3FFD];
	_ =	sdelay $0x3  }
0x97: {  	_ =	strace s4  }
0x98: {  	_ =	strace $0x8FFFFFFF  }
0x99: {  	s19 =	sld [smem:$0x3FDB];
	_ =	sdelay $0x1  }
0x9a: {  	s5 =	simm.s32 $_scs_section_size  }
0x9b: {  	s6 =	simm.s32 $_size__tile_overlayer_lowered;
	s7 =	simm.s32 $_tile_overlayer_lowered  }
0x9c: {  	s22 =	simm.s32 $0x1BFF;
	s21 =	sshll.u32 s7, $0x1;
	s4 =	sadd.s32 s5, s19  }
0x9d: {  	s8 =	simm.s32 $0x0;
	s20 =	sshll.u32 s6, $0x1;
	s6 =	sadd.s32 s21, s4  }
0x9e: {  	[timem:s8], [sflag:s22] =	dma.local [hbm:s6], s20  }
0x9f: {  	_ =	swait.ge [sflag:s22], s20  }
0xa0: {  	s5 =	ssub.s32 $0x0, s20;
	[sflag:s22] =	ssyncset.done $0x0  }
0xa1: {  	[sflag:s22] =	ssyncadd.s32 s5;
	_ =	sdelay $0x1  }
0xa2: {  	s23 =	simm.s32 $0x1B8B  }
0xa3: {  	_ =	swait.ge [sflag:s23], $0x1  }
0xa4: {  	[sflag:s23] =	ssyncset.done $0x0  }
0xa5: {  	s25 =	simm.s32 $0x1B8E;
	s24 =	sld [smem:$0x3FFE];
	[sflag:s23] =	ssyncadd.s32 $0xFFFFFFFF  }
0xa6: {  	s26 =	simm.s32 $execute0_lowered;
	[smem:$0x3FD2] =	sst s25  }
0xa7: {  	s6 =	sshll.u32 s26, $0x1;
	_ =	strace $0x80000046;
	[dreg:$0x1] =	wrdreg $0xFFFFFFFF  }
0xa8: {  	s28 =	simm.s32 $_size_execute0_lowered;
	s4 =	sadd.s32 s4, s6;
	[dreg:$0x0] =	wrdreg $0x0  }
0xa9: {  	s6 =	sshll.u32 s28, $0x1;
	[dreg:$0x2] =	wrdreg s4  }
0xaa: {  	[dreg:$0x3] =	wrdreg s6  }
0xab: {  	[dreg:$0x4] =	wrdreg $0xC0  }
0xac: {  	_ =	task [dreg:s8], $0x5FFFF  }
0xad: {  	[dreg:$0x1] =	wrdreg $0xFFFFFFFF  }
0xae: {  	[dreg:$0x0] =	wrdreg $0x60  }
0xaf: {  	[dreg:$0x2] =	wrdreg s24  }
0xb0: {  	[dreg:$0x3] =	wrdreg s2  }
0xb1: {  	[dreg:$0x4] =	wrdreg s18  }
0xb2: {  	[dreg:$0x5] =	wrdreg $0x9  }
0xb3: {  	_ =	task.clear_ibuf [dreg:s8], $0x6FFFF;
	_ =	strace $0x90000046  }
0xb4: {  	s29 =	simm.s32 $0x9;
	_ =	strace $0x80000048  }
0xb5: {  	_ =	swait.ge [sflag:s29], $0x1  }
0xb6: {  	[sflag:s29] =	ssyncadd.s32 $0xFFFFFFFF  }
0xb7: {  	_ =	strace $0x90000048  }
0xb8: {  	_ =	sfence  }
0xb9: {  	s30 =	sld [smem:$0x0];
	_ =	sdelay $0x2  }
0xba: {  	s31 =	sshll.u32 s1, $0xD;
	s1 =	sshrl.u32 s1, $0x2  }
0xbb: {  	s3 =	sand.u32 $0x4000, s31;
	s1 =	sadd.s32 s1, s30  }
0xbc: {  	s0 =	sor.u32 s3, s0;
	s1 =	sshll.u32 s1, $0x11  }
0xbd: {  	s0 =	sor.u32 s1, s0  }
0xbe: {  	s0 =	sadd.s32 $0x8F2B, s0  }
0xbf: {  	[sflag:s0] =	ssyncadd.remote.s32 $0x1  }
0xc0: {  	_ =	sfence.sel $0xFFFF  }
0xc1: {  	[dreg:$0x0] =	wrdreg $0xFFFFFFFF;
	(pc) =	sbr.abs _section_cstart, $3  }
0xc2: {  	[dreg:$0x1] =	wrdreg $0xFFFFFFFF  }
0xc3: {  	_ =	task.clear_ibuf [dreg:s8], $0x2FFFF;
	_ =	strace $0x9FFFFFFF  }
0xc4: {  	(tm) =	ssettm $0x7FFFFFFF  }
0xc5: {  	_ =	shalt  }
tec
execute0_lowered:
.L_overlay_start_1:
0x0: {  	(tag) =	ssettag $0x1  }
0x1: {  	s0 =	rddreg [dreg:$0x0]  }
0x2: {  	s1 =	srdreg.scid;
	s2 =	rddreg [dreg:$0x1]  }
0x3: {  	s3 =	stileid.u32;
	s5 =	rddreg [dreg:$0x2];
	s7 =	simm.s32 $0x9  }
0x4: {  	s8 =	simm.s32 $0x40;
	s9 =	simm.s32 $0x7000;
	s10 =	simm.s32 $0x9000  }
0x5: {  	s12 =	simm.s32 $0xB000;
	s14 =	simm.s32 $0xD000;
	s16 =	simm.s32 $0xF000  }
0x6: {  	s17 =	simm.s32 $0x840;
	s18 =	simm.s32 $0x11000;
	s19 =	simm.s32 $0xC00  }
0x7: {  	s20 =	simm.s32 $0x13000;
	s21 =	simm.s32 $0xC40;
	s22 =	simm.s32 $0x15000  }
0x8: {  	s23 =	simm.s32 $0x1;
	s24 =	simm.s32 $0x2;
	s28 =	simm.s32 $0x5  }
0x9: {  	s29 =	simm.s32 $0x6;
	s1 =	sand.u32 $0x1, s1;
	s3 =	sshll.u32 s3, $0x1  }
0xa: {  	s30 =	simm.s32 $0x7;
	s31 =	simm.s32 $0x8;
	s6 =	sor.u32 s1, s3  }
0xb: {  	s3 =	simm.s32 $0x0;
	s1 =	ssub.s32 $0x2, s1;
	s4 =	smul.u32 $0xE00, s6  }
0xc: {  	[smem:$0x7FF] =	sst s3;
	s25 =	sshrl.u32 s1, $0x1;
	s26 =	sshll.u32 s6, $0xD  }
0xd: {  	_ =	strace $0x80000047;
	s1 =	ssub.s32 s1, s25;
	s5 =	sadd.s32 s5, s26  }
0xe: {  	s25 =	simm.s32 $0x3;
	s26 =	simm.s32 $0x4;
	s0 =	sadd.s32 s4, s0  }
0xf: {  	s6 =	smax.u32 s1, $0x1;
	s1 =	simm.s32 $0x0;
	s4 =	sadd.s32 $0xA00, s0  }
.LBB2_1:
0x10: {  	[tilespmem:s3], [sflag:$0x9] =	stream.linear.gather [hbm4b:s4+s3], $0x7000, $0x38;
	[tilespmem:$0x17000] =	vst v63  }
0x11: {  	_ =	swait.ge [sflag:s7], $0x7000  }
0x12: {  	[sflag:s7] =	ssyncset.done $0x0  }
0x13: {  	[sflag:s7] =	ssyncadd.s32 $0xFFFF9000  }
0x14: {  	[tilespmem:s9], [sflag:$0x1] =	stream.indirect.gather [hbm4b:s2+s8], $0x80, s3, s8, $0xb8;
	[tilespmem:$0x17000] =	vst v63  }
0x15: {  	_ = 	snop  }
0x16: {  	[tilespmem:s10], [sflag:$0x2] =	stream.indirect.gather [hbm4b:s2+s8], $0x80, s8, s8, $0xb8;
	[tilespmem:$0x17000] =	vst v63  }
0x17: {  	s0 =	simm.s32 $0x400  }
0x18: {  	[tilespmem:s12], [sflag:$0x3] =	stream.indirect.gather [hbm4b:s2+s8], $0x80, s0, s8, $0xb8;
	[tilespmem:$0x17000] =	vst v63  }
0x19: {  	s15 =	simm.s32 $0x440  }
0x1a: {  	[tilespmem:s14], [sflag:$0x4] =	stream.indirect.gather [hbm4b:s2+s8], $0x80, s15, s8, $0xb8;
	[tilespmem:$0x17000] =	vst v63  }
0x1b: {  	s11 =	simm.s32 $0x800  }
0x1c: {  	[tilespmem:s16], [sflag:$0x5] =	stream.indirect.gather [hbm4b:s2+s8], $0x80, s11, s8, $0xb8;
	[tilespmem:$0x17000] =	vst v63  }
0x1d: {  	_ = 	snop  }
0x1e: {  	[tilespmem:s18], [sflag:$0x6] =	stream.indirect.gather [hbm4b:s2+s8], $0x80, s17, s8, $0xb8;
	[tilespmem:$0x17000] =	vst v63  }
0x1f: {  	_ = 	snop  }
0x20: {  	[tilespmem:s20], [sflag:$0x7] =	stream.indirect.gather [hbm4b:s2+s8], $0x80, s19, s8, $0xb8;
	[tilespmem:$0x17000] =	vst v63  }
0x21: {  	_ = 	snop  }
0x22: {  	[tilespmem:s22], [sflag:$0x8] =	stream.indirect.gather [hbm4b:s2+s8], $0x80, s21, s8, $0xb8;
	[tilespmem:$0x17000] =	vst v63  }
0x23: {  	s13 =	simm.s32 $0x200;
	s11 =	simm.s32 $0x80;
	_ =	swait.ge [sflag:s23], $0x2000  }
0x24: {  	s0 =	sand.u32 $0x7000, s13;
	s11 =	sand.u32 $0x380, s11;
	[sflag:s23] =	ssyncset.done $0x0  }
0x25: {  	s11 =	sor.u32 s11, s0;
	[sflag:s23] =	ssyncadd.s32 $0xFFFFE000  }
0x26: {  	[tilespmem:s9], [sflag:$0x1] =	stream.indirect.gather.add.f32 [hbm:s2], $0x80, s11, s8, $0xb8;
	[tilespmem:$0x17000] =	vst v63  }
0x27: {  	_ =	swait.ge [sflag:s24], $0x2000  }
0x28: {  	[sflag:s24] =	ssyncset.done $0x0  }
0x29: {  	s0 =	sor.u32 $0x40, s11;
	[sflag:s24] =	ssyncadd.s32 $0xFFFFE000  }
0x2a: {  	[tilespmem:s10], [sflag:$0x2] =	stream.indirect.gather.add.f32 [hbm:s2], $0x80, s0, s8, $0xb8;
	[tilespmem:$0x17000] =	vst v63  }
0x2b: {  	_ =	swait.ge [sflag:s25], $0x2000  }
0x2c: {  	[sflag:s25] =	ssyncset.done $0x0  }
0x2d: {  	s15 =	sor.u32 $0x400, s11;
	[sflag:s25] =	ssyncadd.s32 $0xFFFFE000  }
0x2e: {  	[tilespmem:s12], [sflag:$0x3] =	stream.indirect.gather.add.f32 [hbm:s2], $0x80, s15, s8, $0xb8;
	[tilespmem:$0x17000] =	vst v63  }
0x2f: {  	_ =	swait.ge [sflag:s26], $0x2000  }
0x30: {  	[sflag:s26] =	ssyncset.done $0x0  }
0x31: {  	s13 =	sor.u32 $0x440, s11;
	[sflag:s26] =	ssyncadd.s32 $0xFFFFE000  }
0x32: {  	[tilespmem:s14], [sflag:$0x4] =	stream.indirect.gather.add.f32 [hbm:s2], $0x80, s13, s8, $0xb8;
	[tilespmem:$0x17000] =	vst v63  }
0x33: {  	_ =	swait.ge [sflag:s28], $0x2000  }
0x34: {  	[sflag:s28] =	ssyncset.done $0x0  }
0x35: {  	s15 =	sor.u32 $0x800, s11;
	[sflag:s28] =	ssyncadd.s32 $0xFFFFE000  }
0x36: {  	[tilespmem:s16], [sflag:$0x5] =	stream.indirect.gather.add.f32 [hbm:s2], $0x80, s15, s8, $0xb8;
	[tilespmem:$0x17000] =	vst v63  }
0x37: {  	_ =	swait.ge [sflag:s29], $0x2000  }
0x38: {  	[sflag:s29] =	ssyncset.done $0x0  }
0x39: {  	s13 =	sor.u32 $0x840, s11;
	[sflag:s29] =	ssyncadd.s32 $0xFFFFE000  }
0x3a: {  	[tilespmem:s18], [sflag:$0x6] =	stream.indirect.gather.add.f32 [hbm:s2], $0x80, s13, s8, $0xb8;
	[tilespmem:$0x17000] =	vst v63  }
0x3b: {  	_ =	swait.ge [sflag:s30], $0x2000  }
0x3c: {  	[sflag:s30] =	ssyncset.done $0x0  }
0x3d: {  	s15 =	sor.u32 $0xC00, s11;
	[sflag:s30] =	ssyncadd.s32 $0xFFFFE000  }
0x3e: {  	[tilespmem:s20], [sflag:$0x7] =	stream.indirect.gather.add.f32 [hbm:s2], $0x80, s15, s8, $0xb8;
	[tilespmem:$0x17000] =	vst v63  }
0x3f: {  	_ =	swait.ge [sflag:s31], $0x2000  }
0x40: {  	s0 =	simm.s32 $0x400;
	[sflag:s31] =	ssyncset.done $0x0  }
0x41: {  	s13 =	sor.u32 $0xC40, s11;
	s11 =	simm.s32 $0x100;
	[sflag:s31] =	ssyncadd.s32 $0xFFFFE000  }
.LBB2_2:
0x42: {  	[tilespmem:s22], [sflag:$0x8] =	stream.indirect.gather.add.f32 [hbm:s2], $0x80, s13, s8, $0xb8;
	[tilespmem:$0x17000] =	vst v63  }
0x43: {  	s13 =	smov.u32 s0  }
0x44: {  	p0 =	sne.s32 s0, $0x6200;
	s0 =	sadd.s32 $0x200, s0;
	_ =	swait.ge [sflag:s23], $0x2000  }
0x45: {  	s15 =	sand.u32 $0x380, s11;
	s13 =	sand.u32 $0x7000, s13;
	[sflag:s23] =	ssyncset.done $0x0  }
0x46: {  	s13 =	sor.u32 s15, s13;
	[sflag:s23] =	ssyncadd.s32 $0xFFFFE000  }
0x47: {  	[tilespmem:s9], [sflag:$0x1] =	stream.indirect.gather.add.f32 [hbm:s2], $0x80, s13, s8, $0xb8;
	[tilespmem:$0x17000] =	vst v63  }
0x48: {  	_ =	swait.ge [sflag:s24], $0x2000  }
0x49: {  	[sflag:s24] =	ssyncset.done $0x0  }
0x4a: {  	s15 =	sor.u32 $0x40, s13;
	[sflag:s24] =	ssyncadd.s32 $0xFFFFE000  }
0x4b: {  	[tilespmem:s10], [sflag:$0x2] =	stream.indirect.gather.add.f32 [hbm:s2], $0x80, s15, s8, $0xb8;
	[tilespmem:$0x17000] =	vst v63  }
0x4c: {  	_ =	swait.ge [sflag:s25], $0x2000  }
0x4d: {  	[sflag:s25] =	ssyncset.done $0x0  }
0x4e: {  	s15 =	sor.u32 $0x400, s13;
	[sflag:s25] =	ssyncadd.s32 $0xFFFFE000  }
0x4f: {  	[tilespmem:s12], [sflag:$0x3] =	stream.indirect.gather.add.f32 [hbm:s2], $0x80, s15, s8, $0xb8;
	[tilespmem:$0x17000] =	vst v63  }
0x50: {  	_ =	swait.ge [sflag:s26], $0x2000  }
0x51: {  	[sflag:s26] =	ssyncset.done $0x0  }
0x52: {  	s15 =	sor.u32 $0x440, s13;
	[sflag:s26] =	ssyncadd.s32 $0xFFFFE000  }
0x53: {  	[tilespmem:s14], [sflag:$0x4] =	stream.indirect.gather.add.f32 [hbm:s2], $0x80, s15, s8, $0xb8;
	[tilespmem:$0x17000] =	vst v63  }
0x54: {  	_ =	swait.ge [sflag:s28], $0x2000  }
0x55: {  	[sflag:s28] =	ssyncset.done $0x0  }
0x56: {  	s15 =	sor.u32 $0x800, s13;
	[sflag:s28] =	ssyncadd.s32 $0xFFFFE000  }
0x57: {  	[tilespmem:s16], [sflag:$0x5] =	stream.indirect.gather.add.f32 [hbm:s2], $0x80, s15, s8, $0xb8;
	[tilespmem:$0x17000] =	vst v63  }
0x58: {  	_ =	swait.ge [sflag:s29], $0x2000  }
0x59: {  	[sflag:s29] =	ssyncset.done $0x0  }
0x5a: {  	s15 =	sor.u32 $0x840, s13;
	[sflag:s29] =	ssyncadd.s32 $0xFFFFE000  }
0x5b: {  	[tilespmem:s18], [sflag:$0x6] =	stream.indirect.gather.add.f32 [hbm:s2], $0x80, s15, s8, $0xb8;
	[tilespmem:$0x17000] =	vst v63  }
0x5c: {  	_ =	swait.ge [sflag:s30], $0x2000  }
0x5d: {  	[sflag:s30] =	ssyncset.done $0x0  }
.Ltmp0:
0x5e: {  	s15 =	sor.u32 $0xC00, s13;
	[sflag:s30] =	ssyncadd.s32 $0xFFFFE000;
	(pc) =	sbr.rel @p0 .LBB2_2-.Ltmp0, $4  }
0x5f: {  	[tilespmem:s20], [sflag:$0x7] =	stream.indirect.gather.add.f32 [hbm:s2], $0x80, s15, s8, $0xb8;
	[tilespmem:$0x17000] =	vst v63  }
0x60: {  	_ =	swait.ge [sflag:s31], $0x2000  }
0x61: {  	[sflag:s31] =	ssyncset.done $0x0  }
0x62: {  	s11 =	sadd.s32 $0x80, s11;
	s13 =	sor.u32 $0xC40, s13;
	[sflag:s31] =	ssyncadd.s32 $0xFFFFE000  }
0x63: {  	[tilespmem:s22], [sflag:$0x8] =	stream.indirect.gather.add.f32 [hbm:s2], $0x80, s13, s8, $0xb8;
	[tilespmem:$0x17000] =	vst v63  }
0x64: {  	_ =	swait.ge [sflag:s23], $0x2000  }
0x65: {  	[sflag:s23] =	ssyncset.done $0x0  }
0x66: {  	[sflag:s23] =	ssyncadd.s32 $0xFFFFE000  }
0x67: {  	_ =	swait.ge [sflag:s24], $0x2000  }
0x68: {  	[sflag:s24] =	ssyncset.done $0x0  }
0x69: {  	[sflag:s24] =	ssyncadd.s32 $0xFFFFE000  }
0x6a: {  	_ =	swait.ge [sflag:s25], $0x2000  }
0x6b: {  	[sflag:s25] =	ssyncset.done $0x0  }
0x6c: {  	[sflag:s25] =	ssyncadd.s32 $0xFFFFE000  }
0x6d: {  	_ =	swait.ge [sflag:s26], $0x2000  }
0x6e: {  	[sflag:s26] =	ssyncset.done $0x0  }
0x6f: {  	[sflag:s26] =	ssyncadd.s32 $0xFFFFE000  }
0x70: {  	_ =	swait.ge [sflag:s28], $0x2000  }
0x71: {  	[sflag:s28] =	ssyncset.done $0x0  }
0x72: {  	[sflag:s28] =	ssyncadd.s32 $0xFFFFE000  }
0x73: {  	_ =	swait.ge [sflag:s29], $0x2000  }
0x74: {  	[sflag:s29] =	ssyncset.done $0x0  }
0x75: {  	[sflag:s29] =	ssyncadd.s32 $0xFFFFE000  }
0x76: {  	_ =	swait.ge [sflag:s30], $0x2000  }
0x77: {  	[sflag:s30] =	ssyncset.done $0x0  }
0x78: {  	[sflag:s30] =	ssyncadd.s32 $0xFFFFE000  }
0x79: {  	s1 =	sadd.s32 $0x1, s1;
	_ =	swait.ge [sflag:s31], $0x2000  }
0x7a: {  	p0 =	sne.s32 s1, s6;
	[sflag:s31] =	ssyncset.done $0x0  }
.Ltmp1:
0x7b: {  	[sflag:s31] =	ssyncadd.s32 $0xFFFFE000;
	(pc) =	sbr.rel @p0 .LBB2_1-.Ltmp1, $4  }
0x7c: {  	[hbm4b:s5+s3] =	stream.linear.scatter [tilespmem:s9], [sflag:$0x9], $0x10000, $0x38;
	[tilespmem:$0x17000] =	vst v63  }
0x7d: {  	_ =	swait.ge [sflag:s7], $0x10000  }
0x7e: {  	[sflag:s7] =	ssyncset.done $0x0  }
0x7f: {  	[sflag:s7] =	ssyncadd.s32 $0xFFFF0000  }
0x80: {  	_ =	sfence.sel $0x180000  }
0x81: {  	[bflag:$0x0] =	sbarrier.arrive $0xFFFF  }
0x82: {  	_ =	strace $0x90000047  }
0x83: {  	s0 =	stileid.u32;
	[bflag:$0x2] =	sbarrier.arrive $0xFFFF  }
0x84: {  	p0 =	sne.s32 s0, $0x0;
	s0 =	rddreg [dreg:$0x3]  }
0x85: {  	s0 =	sadd.s32 @!p0 $0x100000, s0  }
0x86: {  	[sflag:s0] =	ssyncadd.tile.s32 @!p0 $0x1;
	_ =	shalt  }
.Lfunc_end2:
_tile_overlayer_lowered:
.L_overlay_start_2:
0x87: {  	(tag) =	ssettag $0x2  }
0x88: {  	s0 =	rddreg [dreg:$0x0];
	s2 =	stileid.u32  }
0x89: {  	s1 =	rddreg [dreg:$0x1];
	p0 =	sne.s32 s2, $0x0  }
0x8a: {  	s3 =	rddreg [dreg:$0x2];
	[bflag:$0x3] =	sbarrier.arrive $0xFFFF;
	s2 =	simm.s32 @!p0 $0x1C09  }
0x8b: {  	[timem:s3], [sflag:s2] =	dma.local @!p0 [hbm:s0], s1  }
0x8c: {  	s0 =	simm.s32 @!p0 $0x9  }
0x8d: {  	_ =	swait.ge @!p0 [sflag:s0], s1  }
0x8e: {  	s1 =	ssub.s32 @!p0 $0x0, s1;
	[sflag:s0] =	ssyncset.done @!p0 $0x0  }
0x8f: {  	[sflag:s0] =	ssyncadd.s32 @!p0 s1  }
0x90: {  	[bflag:$0x3] =	sbarrier.arrive $0xFFFF  }
0x91: {  	_ =	shalt  }

</sc_bundles>
